<compile_context>
chip_gen: v7x
topology: tpu7x:2x2x1
jax: 0.10.2.dev20260603
libtpu: 0.0.44.dev20260713+nightly
codegen_flags: <defaults>
</compile_context>

<pallas_src>
import jax
import jax.numpy as jnp
from jax import lax
from jax.experimental import pallas as pl
from jax.experimental.pallas import tpu as pltpu
from jax.experimental.pallas import tpu_sc as plsc

_B = 128
_LANES = 16


def _build_sc_call(n_atoms, interpret=False):
    NW = 16
    PER = -(-n_atoms // NW)
    PER = -(-PER // _LANES) * _LANES
    while PER % 8:
        PER += _LANES
    LAST_BASE = (NW - 1) * PER
    LAST = n_atoms - LAST_BASE
    assert LAST > 0 and LAST % _LANES == 0
    assert n_atoms % 8 == 0

    mesh = plsc.VectorSubcoreMesh(
        core_axis_name="c", subcore_axis_name="s",
        num_cores=1, num_subcores=NW)

    def body(pos_hbm, bid_hbm, out_hbm, pos_v, bid_v, acc_v, red_v, shared,
             sem1, sem2):
        wid = lax.axis_index("s")
        lane = lax.iota(jnp.int32, _LANES)
        is_last = wid == (NW - 1)
        base = wid * PER

        def copies(sz):
            cps = [
                pltpu.make_async_copy(
                    pos_hbm.at[pl.ds(c * n_atoms + base, sz)],
                    pos_v.at[pl.ds(c * PER, sz)], sem1)
                for c in range(3)
            ]
            cps.append(pltpu.make_async_copy(
                bid_hbm.at[pl.ds(base, sz)], bid_v.at[pl.ds(0, sz)], sem2))
            return cps

        @pl.when(~is_last)
        def _stage_full():
            for cp in copies(PER):
                cp.start()

        @pl.when(is_last)
        def _stage_tail():
            for cp in copies(LAST):
                cp.start()

        for k in range(_B // _LANES):
            acc_v[pl.ds(k * _LANES, _LANES)] = jnp.zeros((_LANES,), jnp.float32)

        @pl.when(~is_last)
        def _wait_full():
            for cp in copies(PER):
                cp.wait()

        @pl.when(is_last)
        def _wait_tail():
            for cp in copies(LAST):
                cp.wait()

        nblocks = jnp.where(is_last, LAST // _LANES, PER // _LANES)
        last_lane = lane == (_LANES - 1)

        @plsc.parallel_loop(0, nblocks, 1, unroll=8)
        def _block(j):
            a0 = j * _LANES
            bid = bid_v[pl.ds(a0, _LANES)]
            bidn = bid_v[pl.ds(a0 + 1, _LANES)]
            x = pos_v[pl.ds(a0, _LANES)]
            y = pos_v[pl.ds(PER + a0, _LANES)]
            z = pos_v[pl.ds(2 * PER + a0, _LANES)]
            s = plsc.cumsum(x * x + y * y + z * z)
            neq = bid != bidn
            plsc.addupdate_scatter(acc_v, [bid], s, mask=neq | last_lane)
            plsc.addupdate_scatter(acc_v, [bidn], -s,
                                   mask=neq & (~last_lane))

        pltpu.sync_copy(acc_v, shared.at[pl.ds(wid * _B, _B)])
        plsc.subcore_barrier()

        @pl.when(wid == 0)
        def _reduce_out():
            pltpu.sync_copy(shared, red_v)
            for k in range(_B // _LANES):
                tot = red_v[pl.ds(k * _LANES, _LANES)]
                for r in range(1, NW):
                    tot = tot + red_v[pl.ds(r * _B + k * _LANES, _LANES)]
                acc_v[pl.ds(k * _LANES, _LANES)] = tot
            pltpu.sync_copy(acc_v, out_hbm)

    return pl.kernel(
        body,
        out_type=jax.ShapeDtypeStruct((_B,), jnp.float32),
        mesh=mesh,
        scratch_types=[
            pltpu.VMEM((3 * PER,), jnp.float32),
            pltpu.VMEM((PER + _LANES,), jnp.int32),
            pltpu.VMEM((_B,), jnp.float32),
            pltpu.VMEM((NW * _B,), jnp.float32),
            pltpu.VMEM_SHARED((NW * _B,), jnp.float32),
            pltpu.SemaphoreType.DMA,
            pltpu.SemaphoreType.DMA,
        ],
        compiler_params=pltpu.CompilerParams(needs_layout_passes=False),
        interpret=interpret,
    )


def kernel(positions, batch_idx, num_graphs):
    del num_graphs
    call = _build_sc_call(positions.shape[0])
    out = call(positions.T.reshape(-1), batch_idx.astype(jnp.int32))
    return out.reshape(_B, 1)

# --- scband reference (transcript-rebuilt; emitter-appended) ---
"""Pipeline reference for scband-mock-autograd-energy-model-51539608327 (READ-ONLY COPY).

The authoritative reference and input builder live on the scoring server;
editing this copy changes nothing except your own understanding.
"""

import jax, jax.numpy as jnp
import numpy as np

SCALE = 1.0
N = 100000
B = 128

def setup_inputs(seed: int = 0) -> dict:
    key = jax.random.key(seed)
    k1, k2 = jax.random.split(key)
    positions = jax.random.normal(k1, (N, 3), dtype=jnp.float32)
    batch_idx = jnp.sort(jax.random.randint(k2, (N,), 0, B, dtype=jnp.int64))
    return {"positions": positions, "batch_idx": batch_idx, "num_graphs": B}

def reference(positions, batch_idx, num_graphs):
    # per_atom = scale * (positions ** 2).sum(dim=-1)
    per_atom = SCALE * jnp.sum(positions ** 2, axis=-1)
    # energies.scatter_add_(0, batch.unsqueeze(-1), per_atom.unsqueeze(-1))
    energies = jax.ops.segment_sum(per_atom, batch_idx, num_segments=B)
    energies = energies.reshape(B, 1).astype(positions.dtype)
    energies = energies + jnp.zeros((), energies.dtype) * num_graphs
    return energies

if __name__ == "__main__":
    import jax
    _d = setup_inputs()
    print(jax.jit(kernel)(*tuple(_d.values())))

</pallas_src>

<mosaic_0001>
#map = affine_map<(d0, d1) -> (0)>
module attributes {stable_mosaic.version = 14 : i64} {
  func.func @body(%arg0: i32, %arg1: i32, %arg2: memref<300000xf32, #tpu.memory_space<hbm>>, %arg3: memref<100000xi32, #tpu.memory_space<hbm>>, %arg4: memref<128xf32, #tpu.memory_space<hbm>>, %arg5: memref<18768xf32, #tpu.memory_space<vmem>>, %arg6: memref<6272xi32, #tpu.memory_space<vmem>>, %arg7: memref<128xf32, #tpu.memory_space<vmem>>, %arg8: memref<2048xf32, #tpu.memory_space<vmem>>, %arg9: memref<2048xf32, #tpu.memory_space<vmem_shared>>, %arg10: memref<!tpu.dma_semaphore, #tpu.memory_space<semaphore_mem>>, %arg11: memref<!tpu.dma_semaphore, #tpu.memory_space<semaphore_mem>>) attributes {dimension_semantics = [#tpu.dimension_semantics<core_parallel>, #tpu.dimension_semantics<subcore_parallel>], iteration_bounds = array<i64: 1, 16>, scalar_prefetch = 0 : i64, scratch_operands = 7 : i64, tpu.core_type = #tpu.core_type<sc_vector_subcore>, window_params = [{transform_indices = #map}, {transform_indices = #map}, {transform_indices = #map}]} {
    %iota3A = tpu.iota {dimensions = array<i32: 0>} : vector<16xi32>
    %eq3A = arith.constant 15 : i32
    %eq3A_0 = arith.cmpi eq, %arg1, %eq3A : i32
    %mul3A = arith.constant 6256 : i32
    %mul3A_1 = arith.muli %arg1, %mul3A : i32
    %not3A = arith.constant true
    %not3A_2 = arith.xori %eq3A_0, %not3A : i1
    %convert_element_type3A = arith.extui %not3A_2 : i1 to i32
    %cond3A = arith.constant 0 : i32
    %cond3A_3 = arith.cmpi ne, %convert_element_type3A, %cond3A : i32
    scf.if %cond3A_3 {
      %add3A = arith.constant 0 : i32
      %add3A_57 = arith.addi %add3A, %mul3A_1 : i32
      %add3A_58 = arith.constant 100000 : i32
      %add3A_59 = arith.addi %add3A_58, %mul3A_1 : i32
      %add3A_60 = arith.constant 200000 : i32
      %add3A_61 = arith.addi %add3A_60, %mul3A_1 : i32
      %dma_start3A = arith.constant 0 : i32
      %dma_start3A_62 = tpu.memref_slice %arg5[%dma_start3A] : memref<18768xf32, #tpu.memory_space<vmem>> -> memref<6256xf32, #tpu.memory_space<vmem>>
      %dma_start3A_63 = tpu.memref_slice %arg2[%add3A_57] : memref<300000xf32, #tpu.memory_space<hbm>> -> memref<6256xf32, #tpu.memory_space<hbm>>
      %dma_start3A_64 = arith.constant 0 : i32
      %dma_start3A_65 = tpu.memref_slice %arg5[%dma_start3A_64] : memref<18768xf32, #tpu.memory_space<vmem>> -> memref<6256xf32, #tpu.memory_space<vmem>>
      %dma_start3A_66 = tpu.memref_slice %arg2[%add3A_57] : memref<300000xf32, #tpu.memory_space<hbm>> -> memref<6256xf32, #tpu.memory_space<hbm>>
      tpu.enqueue_dma source(%dma_start3A_66 : memref<6256xf32, #tpu.memory_space<hbm>>) target(%dma_start3A_65 : memref<6256xf32, #tpu.memory_space<vmem>>) target_semaphore(%arg10 : memref<!tpu.dma_semaphore, #tpu.memory_space<semaphore_mem>>)
      %dma_start3A_67 = arith.constant 6256 : i32
      %dma_start3A_68 = tpu.memref_slice %arg5[%dma_start3A_67] : memref<18768xf32, #tpu.memory_space<vmem>> -> memref<6256xf32, #tpu.memory_space<vmem>>
      %dma_start3A_69 = tpu.memref_slice %arg2[%add3A_59] : memref<300000xf32, #tpu.memory_space<hbm>> -> memref<6256xf32, #tpu.memory_space<hbm>>
      %dma_start3A_70 = arith.constant 6256 : i32
      %dma_start3A_71 = tpu.memref_slice %arg5[%dma_start3A_70] : memref<18768xf32, #tpu.memory_space<vmem>> -> memref<6256xf32, #tpu.memory_space<vmem>>
      %dma_start3A_72 = tpu.memref_slice %arg2[%add3A_59] : memref<300000xf32, #tpu.memory_space<hbm>> -> memref<6256xf32, #tpu.memory_space<hbm>>
      tpu.enqueue_dma source(%dma_start3A_72 : memref<6256xf32, #tpu.memory_space<hbm>>) target(%dma_start3A_71 : memref<6256xf32, #tpu.memory_space<vmem>>) target_semaphore(%arg10 : memref<!tpu.dma_semaphore, #tpu.memory_space<semaphore_mem>>)
      %dma_start3A_73 = arith.constant 12512 : i32
      %dma_start3A_74 = tpu.memref_slice %arg5[%dma_start3A_73] : memref<18768xf32, #tpu.memory_space<vmem>> -> memref<6256xf32, #tpu.memory_space<vmem>>
      %dma_start3A_75 = tpu.memref_slice %arg2[%add3A_61] : memref<300000xf32, #tpu.memory_space<hbm>> -> memref<6256xf32, #tpu.memory_space<hbm>>
      %dma_start3A_76 = arith.constant 12512 : i32
      %dma_start3A_77 = tpu.memref_slice %arg5[%dma_start3A_76] : memref<18768xf32, #tpu.memory_space<vmem>> -> memref<6256xf32, #tpu.memory_space<vmem>>
      %dma_start3A_78 = tpu.memref_slice %arg2[%add3A_61] : memref<300000xf32, #tpu.memory_space<hbm>> -> memref<6256xf32, #tpu.memory_space<hbm>>
      tpu.enqueue_dma source(%dma_start3A_78 : memref<6256xf32, #tpu.memory_space<hbm>>) target(%dma_start3A_77 : memref<6256xf32, #tpu.memory_space<vmem>>) target_semaphore(%arg10 : memref<!tpu.dma_semaphore, #tpu.memory_space<semaphore_mem>>)
      %dma_start3A_79 = arith.constant 0 : i32
      %dma_start3A_80 = tpu.memref_slice %arg6[%dma_start3A_79] : memref<6272xi32, #tpu.memory_space<vmem>> -> memref<6256xi32, #tpu.memory_space<vmem>>
      %dma_start3A_81 = tpu.memref_slice %arg3[%mul3A_1] : memref<100000xi32, #tpu.memory_space<hbm>> -> memref<6256xi32, #tpu.memory_space<hbm>>
      %dma_start3A_82 = arith.constant 0 : i32
      %dma_start3A_83 = tpu.memref_slice %arg6[%dma_start3A_82] : memref<6272xi32, #tpu.memory_space<vmem>> -> memref<6256xi32, #tpu.memory_space<vmem>>
      %dma_start3A_84 = tpu.memref_slice %arg3[%mul3A_1] : memref<100000xi32, #tpu.memory_space<hbm>> -> memref<6256xi32, #tpu.memory_space<hbm>>
      tpu.enqueue_dma source(%dma_start3A_84 : memref<6256xi32, #tpu.memory_space<hbm>>) target(%dma_start3A_83 : memref<6256xi32, #tpu.memory_space<vmem>>) target_semaphore(%arg11 : memref<!tpu.dma_semaphore, #tpu.memory_space<semaphore_mem>>)
    } else {
    }
    %convert_element_type3A_4 = arith.extui %eq3A_0 : i1 to i32
    %cond3A_5 = arith.constant 0 : i32
    %cond3A_6 = arith.cmpi ne, %convert_element_type3A_4, %cond3A_5 : i32
    scf.if %cond3A_6 {
      %add3A = arith.constant 0 : i32
      %add3A_57 = arith.addi %add3A, %mul3A_1 : i32
      %add3A_58 = arith.constant 100000 : i32
      %add3A_59 = arith.addi %add3A_58, %mul3A_1 : i32
      %add3A_60 = arith.constant 200000 : i32
      %add3A_61 = arith.addi %add3A_60, %mul3A_1 : i32
      %dma_start3A = arith.constant 0 : i32
      %dma_start3A_62 = tpu.memref_slice %arg5[%dma_start3A] : memref<18768xf32, #tpu.memory_space<vmem>> -> memref<6160xf32, #tpu.memory_space<vmem>>
      %dma_start3A_63 = tpu.memref_slice %arg2[%add3A_57] : memref<300000xf32, #tpu.memory_space<hbm>> -> memref<6160xf32, #tpu.memory_space<hbm>>
      %dma_start3A_64 = arith.constant 0 : i32
      %dma_start3A_65 = tpu.memref_slice %arg5[%dma_start3A_64] : memref<18768xf32, #tpu.memory_space<vmem>> -> memref<6160xf32, #tpu.memory_space<vmem>>
      %dma_start3A_66 = tpu.memref_slice %arg2[%add3A_57] : memref<300000xf32, #tpu.memory_space<hbm>> -> memref<6160xf32, #tpu.memory_space<hbm>>
      tpu.enqueue_dma source(%dma_start3A_66 : memref<6160xf32, #tpu.memory_space<hbm>>) target(%dma_start3A_65 : memref<6160xf32, #tpu.memory_space<vmem>>) target_semaphore(%arg10 : memref<!tpu.dma_semaphore, #tpu.memory_space<semaphore_mem>>)
      %dma_start3A_67 = arith.constant 6256 : i32
      %dma_start3A_68 = tpu.memref_slice %arg5[%dma_start3A_67] : memref<18768xf32, #tpu.memory_space<vmem>> -> memref<6160xf32, #tpu.memory_space<vmem>>
      %dma_start3A_69 = tpu.memref_slice %arg2[%add3A_59] : memref<300000xf32, #tpu.memory_space<hbm>> -> memref<6160xf32, #tpu.memory_space<hbm>>
      %dma_start3A_70 = arith.constant 6256 : i32
      %dma_start3A_71 = tpu.memref_slice %arg5[%dma_start3A_70] : memref<18768xf32, #tpu.memory_space<vmem>> -> memref<6160xf32, #tpu.memory_space<vmem>>
      %dma_start3A_72 = tpu.memref_slice %arg2[%add3A_59] : memref<300000xf32, #tpu.memory_space<hbm>> -> memref<6160xf32, #tpu.memory_space<hbm>>
      tpu.enqueue_dma source(%dma_start3A_72 : memref<6160xf32, #tpu.memory_space<hbm>>) target(%dma_start3A_71 : memref<6160xf32, #tpu.memory_space<vmem>>) target_semaphore(%arg10 : memref<!tpu.dma_semaphore, #tpu.memory_space<semaphore_mem>>)
      %dma_start3A_73 = arith.constant 12512 : i32
      %dma_start3A_74 = tpu.memref_slice %arg5[%dma_start3A_73] : memref<18768xf32, #tpu.memory_space<vmem>> -> memref<6160xf32, #tpu.memory_space<vmem>>
      %dma_start3A_75 = tpu.memref_slice %arg2[%add3A_61] : memref<300000xf32, #tpu.memory_space<hbm>> -> memref<6160xf32, #tpu.memory_space<hbm>>
      %dma_start3A_76 = arith.constant 12512 : i32
      %dma_start3A_77 = tpu.memref_slice %arg5[%dma_start3A_76] : memref<18768xf32, #tpu.memory_space<vmem>> -> memref<6160xf32, #tpu.memory_space<vmem>>
      %dma_start3A_78 = tpu.memref_slice %arg2[%add3A_61] : memref<300000xf32, #tpu.memory_space<hbm>> -> memref<6160xf32, #tpu.memory_space<hbm>>
      tpu.enqueue_dma source(%dma_start3A_78 : memref<6160xf32, #tpu.memory_space<hbm>>) target(%dma_start3A_77 : memref<6160xf32, #tpu.memory_space<vmem>>) target_semaphore(%arg10 : memref<!tpu.dma_semaphore, #tpu.memory_space<semaphore_mem>>)
      %dma_start3A_79 = arith.constant 0 : i32
      %dma_start3A_80 = tpu.memref_slice %arg6[%dma_start3A_79] : memref<6272xi32, #tpu.memory_space<vmem>> -> memref<6160xi32, #tpu.memory_space<vmem>>
      %dma_start3A_81 = tpu.memref_slice %arg3[%mul3A_1] : memref<100000xi32, #tpu.memory_space<hbm>> -> memref<6160xi32, #tpu.memory_space<hbm>>
      %dma_start3A_82 = arith.constant 0 : i32
      %dma_start3A_83 = tpu.memref_slice %arg6[%dma_start3A_82] : memref<6272xi32, #tpu.memory_space<vmem>> -> memref<6160xi32, #tpu.memory_space<vmem>>
      %dma_start3A_84 = tpu.memref_slice %arg3[%mul3A_1] : memref<100000xi32, #tpu.memory_space<hbm>> -> memref<6160xi32, #tpu.memory_space<hbm>>
      tpu.enqueue_dma source(%dma_start3A_84 : memref<6160xi32, #tpu.memory_space<hbm>>) target(%dma_start3A_83 : memref<6160xi32, #tpu.memory_space<vmem>>) target_semaphore(%arg11 : memref<!tpu.dma_semaphore, #tpu.memory_space<semaphore_mem>>)
    } else {
    }
    %broadcast_in_dim3A = arith.constant 0.000000e+00 : f32
    %broadcast_in_dim3A_7 = vector.broadcast %broadcast_in_dim3A : f32 to vector<16xf32>
    %swap3A = arith.constant 0 : index
    %swap3A_8 = tpu.vector_load %arg7[%swap3A] {strides = array<i32>} : memref<128xf32, #tpu.memory_space<vmem>>, vector<16xf32>,
    tpu.vector_store %arg7[%swap3A], %broadcast_in_dim3A_7 {strides = array<i32>} : memref<128xf32, #tpu.memory_space<vmem>>, vector<16xf32>,
    %broadcast_in_dim3A_9 = arith.constant 0.000000e+00 : f32
    %broadcast_in_dim3A_10 = vector.broadcast %broadcast_in_dim3A_9 : f32 to vector<16xf32>
    %swap3A_11 = arith.constant 16 : index
    %swap3A_12 = tpu.vector_load %arg7[%swap3A_11] {strides = array<i32>} : memref<128xf32, #tpu.memory_space<vmem>>, vector<16xf32>,
    tpu.vector_store %arg7[%swap3A_11], %broadcast_in_dim3A_10 {strides = array<i32>} : memref<128xf32, #tpu.memory_space<vmem>>, vector<16xf32>,
    %broadcast_in_dim3A_13 = arith.constant 0.000000e+00 : f32
    %broadcast_in_dim3A_14 = vector.broadcast %broadcast_in_dim3A_13 : f32 to vector<16xf32>
    %swap3A_15 = arith.constant 32 : index
    %swap3A_16 = tpu.vector_load %arg7[%swap3A_15] {strides = array<i32>} : memref<128xf32, #tpu.memory_space<vmem>>, vector<16xf32>,
    tpu.vector_store %arg7[%swap3A_15], %broadcast_in_dim3A_14 {strides = array<i32>} : memref<128xf32, #tpu.memory_space<vmem>>, vector<16xf32>,
    %broadcast_in_dim3A_17 = arith.constant 0.000000e+00 : f32
    %broadcast_in_dim3A_18 = vector.broadcast %broadcast_in_dim3A_17 : f32 to vector<16xf32>
    %swap3A_19 = arith.constant 48 : index
    %swap3A_20 = tpu.vector_load %arg7[%swap3A_19] {strides = array<i32>} : memref<128xf32, #tpu.memory_space<vmem>>, vector<16xf32>,
    tpu.vector_store %arg7[%swap3A_19], %broadcast_in_dim3A_18 {strides = array<i32>} : memref<128xf32, #tpu.memory_space<vmem>>, vector<16xf32>,
    %broadcast_in_dim3A_21 = arith.constant 0.000000e+00 : f32
    %broadcast_in_dim3A_22 = vector.broadcast %broadcast_in_dim3A_21 : f32 to vector<16xf32>
    %swap3A_23 = arith.constant 64 : index
    %swap3A_24 = tpu.vector_load %arg7[%swap3A_23] {strides = array<i32>} : memref<128xf32, #tpu.memory_space<vmem>>, vector<16xf32>,
    tpu.vector_store %arg7[%swap3A_23], %broadcast_in_dim3A_22 {strides = array<i32>} : memref<128xf32, #tpu.memory_space<vmem>>, vector<16xf32>,
    %broadcast_in_dim3A_25 = arith.constant 0.000000e+00 : f32
    %broadcast_in_dim3A_26 = vector.broadcast %broadcast_in_dim3A_25 : f32 to vector<16xf32>
    %swap3A_27 = arith.constant 80 : index
    %swap3A_28 = tpu.vector_load %arg7[%swap3A_27] {strides = array<i32>} : memref<128xf32, #tpu.memory_space<vmem>>, vector<16xf32>,
    tpu.vector_store %arg7[%swap3A_27], %broadcast_in_dim3A_26 {strides = array<i32>} : memref<128xf32, #tpu.memory_space<vmem>>, vector<16xf32>,
    %broadcast_in_dim3A_29 = arith.constant 0.000000e+00 : f32
    %broadcast_in_dim3A_30 = vector.broadcast %broadcast_in_dim3A_29 : f32 to vector<16xf32>
    %swap3A_31 = arith.constant 96 : index
    %swap3A_32 = tpu.vector_load %arg7[%swap3A_31] {strides = array<i32>} : memref<128xf32, #tpu.memory_space<vmem>>, vector<16xf32>,
    tpu.vector_store %arg7[%swap3A_31], %broadcast_in_dim3A_30 {strides = array<i32>} : memref<128xf32, #tpu.memory_space<vmem>>, vector<16xf32>,
    %broadcast_in_dim3A_33 = arith.constant 0.000000e+00 : f32
    %broadcast_in_dim3A_34 = vector.broadcast %broadcast_in_dim3A_33 : f32 to vector<16xf32>
    %swap3A_35 = arith.constant 112 : index
    %swap3A_36 = tpu.vector_load %arg7[%swap3A_35] {strides = array<i32>} : memref<128xf32, #tpu.memory_space<vmem>>, vector<16xf32>,
    tpu.vector_store %arg7[%swap3A_35], %broadcast_in_dim3A_34 {strides = array<i32>} : memref<128xf32, #tpu.memory_space<vmem>>, vector<16xf32>,
    %not3A_37 = arith.constant true
    %not3A_38 = arith.xori %eq3A_0, %not3A_37 : i1
    %convert_element_type3A_39 = arith.extui %not3A_38 : i1 to i32
    %cond3A_40 = arith.constant 0 : i32
    %cond3A_41 = arith.cmpi ne, %convert_element_type3A_39, %cond3A_40 : i32
    scf.if %cond3A_41 {
      %add3A = arith.constant 0 : i32
      %add3A_57 = arith.addi %add3A, %mul3A_1 : i32
      %add3A_58 = arith.constant 100000 : i32
      %add3A_59 = arith.addi %add3A_58, %mul3A_1 : i32
      %add3A_60 = arith.constant 200000 : i32
      %add3A_61 = arith.addi %add3A_60, %mul3A_1 : i32
      %dma_wait3A = arith.constant 0 : i32
      %dma_wait3A_62 = tpu.memref_slice %arg5[%dma_wait3A] : memref<18768xf32, #tpu.memory_space<vmem>> -> memref<6256xf32, #tpu.memory_space<vmem>>
      %dma_wait3A_63 = tpu.memref_slice %arg2[%add3A_57] : memref<300000xf32, #tpu.memory_space<hbm>> -> memref<6256xf32, #tpu.memory_space<hbm>>
      %dma_wait3A_64 = arith.constant 0 : i32
      %dma_wait3A_65 = tpu.memref_slice %arg5[%dma_wait3A_64] : memref<18768xf32, #tpu.memory_space<vmem>> -> memref<6256xf32, #tpu.memory_space<vmem>>
      %dma_wait3A_66 = tpu.memref_slice %arg2[%add3A_57] : memref<300000xf32, #tpu.memory_space<hbm>> -> memref<6256xf32, #tpu.memory_space<hbm>>
      tpu.wait_dma2 semaphore(%arg10 : memref<!tpu.dma_semaphore, #tpu.memory_space<semaphore_mem>>) src(%dma_wait3A_66 : memref<6256xf32, #tpu.memory_space<hbm>>) dst(%dma_wait3A_65 : memref<6256xf32, #tpu.memory_space<vmem>>)
      %dma_wait3A_67 = arith.constant 6256 : i32
      %dma_wait3A_68 = tpu.memref_slice %arg5[%dma_wait3A_67] : memref<18768xf32, #tpu.memory_space<vmem>> -> memref<6256xf32, #tpu.memory_space<vmem>>
      %dma_wait3A_69 = tpu.memref_slice %arg2[%add3A_59] : memref<300000xf32, #tpu.memory_space<hbm>> -> memref<6256xf32, #tpu.memory_space<hbm>>
      %dma_wait3A_70 = arith.constant 6256 : i32
      %dma_wait3A_71 = tpu.memref_slice %arg5[%dma_wait3A_70] : memref<18768xf32, #tpu.memory_space<vmem>> -> memref<6256xf32, #tpu.memory_space<vmem>>
      %dma_wait3A_72 = tpu.memref_slice %arg2[%add3A_59] : memref<300000xf32, #tpu.memory_space<hbm>> -> memref<6256xf32, #tpu.memory_space<hbm>>
      tpu.wait_dma2 semaphore(%arg10 : memref<!tpu.dma_semaphore, #tpu.memory_space<semaphore_mem>>) src(%dma_wait3A_72 : memref<6256xf32, #tpu.memory_space<hbm>>) dst(%dma_wait3A_71 : memref<6256xf32, #tpu.memory_space<vmem>>)
      %dma_wait3A_73 = arith.constant 12512 : i32
      %dma_wait3A_74 = tpu.memref_slice %arg5[%dma_wait3A_73] : memref<18768xf32, #tpu.memory_space<vmem>> -> memref<6256xf32, #tpu.memory_space<vmem>>
      %dma_wait3A_75 = tpu.memref_slice %arg2[%add3A_61] : memref<300000xf32, #tpu.memory_space<hbm>> -> memref<6256xf32, #tpu.memory_space<hbm>>
      %dma_wait3A_76 = arith.constant 12512 : i32
      %dma_wait3A_77 = tpu.memref_slice %arg5[%dma_wait3A_76] : memref<18768xf32, #tpu.memory_space<vmem>> -> memref<6256xf32, #tpu.memory_space<vmem>>
      %dma_wait3A_78 = tpu.memref_slice %arg2[%add3A_61] : memref<300000xf32, #tpu.memory_space<hbm>> -> memref<6256xf32, #tpu.memory_space<hbm>>
      tpu.wait_dma2 semaphore(%arg10 : memref<!tpu.dma_semaphore, #tpu.memory_space<semaphore_mem>>) src(%dma_wait3A_78 : memref<6256xf32, #tpu.memory_space<hbm>>) dst(%dma_wait3A_77 : memref<6256xf32, #tpu.memory_space<vmem>>)
      %dma_wait3A_79 = arith.constant 0 : i32
      %dma_wait3A_80 = tpu.memref_slice %arg6[%dma_wait3A_79] : memref<6272xi32, #tpu.memory_space<vmem>> -> memref<6256xi32, #tpu.memory_space<vmem>>
      %dma_wait3A_81 = tpu.memref_slice %arg3[%mul3A_1] : memref<100000xi32, #tpu.memory_space<hbm>> -> memref<6256xi32, #tpu.memory_space<hbm>>
      %dma_wait3A_82 = arith.constant 0 : i32
      %dma_wait3A_83 = tpu.memref_slice %arg6[%dma_wait3A_82] : memref<6272xi32, #tpu.memory_space<vmem>> -> memref<6256xi32, #tpu.memory_space<vmem>>
      %dma_wait3A_84 = tpu.memref_slice %arg3[%mul3A_1] : memref<100000xi32, #tpu.memory_space<hbm>> -> memref<6256xi32, #tpu.memory_space<hbm>>
      tpu.wait_dma2 semaphore(%arg11 : memref<!tpu.dma_semaphore, #tpu.memory_space<semaphore_mem>>) src(%dma_wait3A_84 : memref<6256xi32, #tpu.memory_space<hbm>>) dst(%dma_wait3A_83 : memref<6256xi32, #tpu.memory_space<vmem>>)
    } else {
    }
    %convert_element_type3A_42 = arith.extui %eq3A_0 : i1 to i32
    %cond3A_43 = arith.constant 0 : i32
    %cond3A_44 = arith.cmpi ne, %convert_element_type3A_42, %cond3A_43 : i32
    scf.if %cond3A_44 {
      %add3A = arith.constant 0 : i32
      %add3A_57 = arith.addi %add3A, %mul3A_1 : i32
      %add3A_58 = arith.constant 100000 : i32
      %add3A_59 = arith.addi %add3A_58, %mul3A_1 : i32
      %add3A_60 = arith.constant 200000 : i32
      %add3A_61 = arith.addi %add3A_60, %mul3A_1 : i32
      %dma_wait3A = arith.constant 0 : i32
      %dma_wait3A_62 = tpu.memref_slice %arg5[%dma_wait3A] : memref<18768xf32, #tpu.memory_space<vmem>> -> memref<6160xf32, #tpu.memory_space<vmem>>
      %dma_wait3A_63 = tpu.memref_slice %arg2[%add3A_57] : memref<300000xf32, #tpu.memory_space<hbm>> -> memref<6160xf32, #tpu.memory_space<hbm>>
      %dma_wait3A_64 = arith.constant 0 : i32
      %dma_wait3A_65 = tpu.memref_slice %arg5[%dma_wait3A_64] : memref<18768xf32, #tpu.memory_space<vmem>> -> memref<6160xf32, #tpu.memory_space<vmem>>
      %dma_wait3A_66 = tpu.memref_slice %arg2[%add3A_57] : memref<300000xf32, #tpu.memory_space<hbm>> -> memref<6160xf32, #tpu.memory_space<hbm>>
      tpu.wait_dma2 semaphore(%arg10 : memref<!tpu.dma_semaphore, #tpu.memory_space<semaphore_mem>>) src(%dma_wait3A_66 : memref<6160xf32, #tpu.memory_space<hbm>>) dst(%dma_wait3A_65 : memref<6160xf32, #tpu.memory_space<vmem>>)
      %dma_wait3A_67 = arith.constant 6256 : i32
      %dma_wait3A_68 = tpu.memref_slice %arg5[%dma_wait3A_67] : memref<18768xf32, #tpu.memory_space<vmem>> -> memref<6160xf32, #tpu.memory_space<vmem>>
      %dma_wait3A_69 = tpu.memref_slice %arg2[%add3A_59] : memref<300000xf32, #tpu.memory_space<hbm>> -> memref<6160xf32, #tpu.memory_space<hbm>>
      %dma_wait3A_70 = arith.constant 6256 : i32
      %dma_wait3A_71 = tpu.memref_slice %arg5[%dma_wait3A_70] : memref<18768xf32, #tpu.memory_space<vmem>> -> memref<6160xf32, #tpu.memory_space<vmem>>
      %dma_wait3A_72 = tpu.memref_slice %arg2[%add3A_59] : memref<300000xf32, #tpu.memory_space<hbm>> -> memref<6160xf32, #tpu.memory_space<hbm>>
      tpu.wait_dma2 semaphore(%arg10 : memref<!tpu.dma_semaphore, #tpu.memory_space<semaphore_mem>>) src(%dma_wait3A_72 : memref<6160xf32, #tpu.memory_space<hbm>>) dst(%dma_wait3A_71 : memref<6160xf32, #tpu.memory_space<vmem>>)
      %dma_wait3A_73 = arith.constant 12512 : i32
      %dma_wait3A_74 = tpu.memref_slice %arg5[%dma_wait3A_73] : memref<18768xf32, #tpu.memory_space<vmem>> -> memref<6160xf32, #tpu.memory_space<vmem>>
      %dma_wait3A_75 = tpu.memref_slice %arg2[%add3A_61] : memref<300000xf32, #tpu.memory_space<hbm>> -> memref<6160xf32, #tpu.memory_space<hbm>>
      %dma_wait3A_76 = arith.constant 12512 : i32
      %dma_wait3A_77 = tpu.memref_slice %arg5[%dma_wait3A_76] : memref<18768xf32, #tpu.memory_space<vmem>> -> memref<6160xf32, #tpu.memory_space<vmem>>
      %dma_wait3A_78 = tpu.memref_slice %arg2[%add3A_61] : memref<300000xf32, #tpu.memory_space<hbm>> -> memref<6160xf32, #tpu.memory_space<hbm>>
      tpu.wait_dma2 semaphore(%arg10 : memref<!tpu.dma_semaphore, #tpu.memory_space<semaphore_mem>>) src(%dma_wait3A_78 : memref<6160xf32, #tpu.memory_space<hbm>>) dst(%dma_wait3A_77 : memref<6160xf32, #tpu.memory_space<vmem>>)
      %dma_wait3A_79 = arith.constant 0 : i32
      %dma_wait3A_80 = tpu.memref_slice %arg6[%dma_wait3A_79] : memref<6272xi32, #tpu.memory_space<vmem>> -> memref<6160xi32, #tpu.memory_space<vmem>>
      %dma_wait3A_81 = tpu.memref_slice %arg3[%mul3A_1] : memref<100000xi32, #tpu.memory_space<hbm>> -> memref<6160xi32, #tpu.memory_space<hbm>>
      %dma_wait3A_82 = arith.constant 0 : i32
      %dma_wait3A_83 = tpu.memref_slice %arg6[%dma_wait3A_82] : memref<6272xi32, #tpu.memory_space<vmem>> -> memref<6160xi32, #tpu.memory_space<vmem>>
      %dma_wait3A_84 = tpu.memref_slice %arg3[%mul3A_1] : memref<100000xi32, #tpu.memory_space<hbm>> -> memref<6160xi32, #tpu.memory_space<hbm>>
      tpu.wait_dma2 semaphore(%arg11 : memref<!tpu.dma_semaphore, #tpu.memory_space<semaphore_mem>>) src(%dma_wait3A_84 : memref<6160xi32, #tpu.memory_space<hbm>>) dst(%dma_wait3A_83 : memref<6160xi32, #tpu.memory_space<vmem>>)
    } else {
    }
    %jit3A = arith.constant 385 : i32
    %jit3A_45 = arith.constant 391 : i32
    %select_n3A = arith.select %eq3A_0, %jit3A, %jit3A_45 : i32
    %eq3A_46 = arith.constant 15 : i32
    %eq3A_47 = vector.broadcast %eq3A_46 : i32 to vector<16xi32>
    %eq3A_48 = arith.cmpi eq, %iota3A, %eq3A_47 : vector<16xi32>
    %parallel_loop3A = arith.constant 0 : i32
    %parallel_loop3A_49 = arith.constant 1 : i32
    scf.for %parallel_loop3A_57 = %parallel_loop3A to %select_n3A step %parallel_loop3A_49  : i32 {
      %parallel_loop3A_58 = arith.constant 16 : i32
      %parallel_loop3A_59 = arith.muli %parallel_loop3A_57, %parallel_loop3A_58 : i32
      %parallel_loop3A_60 = arith.index_cast %parallel_loop3A_59 : i32 to index
      %parallel_loop3A_61 = tpu.vector_load %arg6[%parallel_loop3A_60] {strides = array<i32>} : memref<6272xi32, #tpu.memory_space<vmem>>, vector<16xi32>,
      %parallel_loop3A_62 = arith.constant 1 : i32
      %parallel_loop3A_63 = arith.addi %parallel_loop3A_59, %parallel_loop3A_62 : i32
      %parallel_loop3A_64 = arith.index_cast %parallel_loop3A_63 : i32 to index
      %parallel_loop3A_65 = tpu.vector_load %arg6[%parallel_loop3A_64] {strides = array<i32>} : memref<6272xi32, #tpu.memory_space<vmem>>, vector<16xi32>,
      %parallel_loop3A_66 = arith.index_cast %parallel_loop3A_59 : i32 to index
      %parallel_loop3A_67 = tpu.vector_load %arg5[%parallel_loop3A_66] {strides = array<i32>} : memref<18768xf32, #tpu.memory_space<vmem>>, vector<16xf32>,
      %parallel_loop3A_68 = arith.constant 6256 : i32
      %parallel_loop3A_69 = arith.addi %parallel_loop3A_68, %parallel_loop3A_59 : i32
      %parallel_loop3A_70 = arith.index_cast %parallel_loop3A_69 : i32 to index
      %parallel_loop3A_71 = tpu.vector_load %arg5[%parallel_loop3A_70] {strides = array<i32>} : memref<18768xf32, #tpu.memory_space<vmem>>, vector<16xf32>,
      %parallel_loop3A_72 = arith.constant 12512 : i32
      %parallel_loop3A_73 = arith.addi %parallel_loop3A_72, %parallel_loop3A_59 : i32
      %parallel_loop3A_74 = arith.index_cast %parallel_loop3A_73 : i32 to index
      %parallel_loop3A_75 = tpu.vector_load %arg5[%parallel_loop3A_74] {strides = array<i32>} : memref<18768xf32, #tpu.memory_space<vmem>>, vector<16xf32>,
      %parallel_loop3A_76 = arith.mulf %parallel_loop3A_67, %parallel_loop3A_67 : vector<16xf32>
      %parallel_loop3A_77 = arith.mulf %parallel_loop3A_71, %parallel_loop3A_71 : vector<16xf32>
      %parallel_loop3A_78 = arith.addf %parallel_loop3A_76, %parallel_loop3A_77 : vector<16xf32>
      %parallel_loop3A_79 = arith.mulf %parallel_loop3A_75, %parallel_loop3A_75 : vector<16xf32>
      %parallel_loop3A_80 = arith.addf %parallel_loop3A_78, %parallel_loop3A_79 : vector<16xf32>
      %parallel_loop3A_81 = arith.constant true
      %parallel_loop3A_82 = vector.broadcast %parallel_loop3A_81 : i1 to vector<16xi1>
      %parallel_loop3A_83 = tpu.scan <sum>, %parallel_loop3A_80 masked %parallel_loop3A_82 : vector<16xf32>, vector<16xi1> -> vector<16xf32>
      %parallel_loop3A_84 = arith.cmpi ne, %parallel_loop3A_61, %parallel_loop3A_65 : vector<16xi32>
      %parallel_loop3A_85 = arith.ori %parallel_loop3A_84, %eq3A_48 : vector<16xi1>
      tpu.vector_store_idx %arg7[%parallel_loop3A_61], %parallel_loop3A_83 masked %parallel_loop3A_85 {add = true} : memref<128xf32, #tpu.memory_space<vmem>>[vector<16xi32>], vector<16xf32>, vector<16xi1>
      %parallel_loop3A_86 = arith.constant 0.000000e+00 : f32
      %parallel_loop3A_87 = vector.broadcast %parallel_loop3A_86 : f32 to vector<16xf32>
      %parallel_loop3A_88 = arith.subf %parallel_loop3A_87, %parallel_loop3A_83 : vector<16xf32>
      %parallel_loop3A_89 = arith.constant dense<true> : vector<16xi1>
      %parallel_loop3A_90 = arith.xori %eq3A_48, %parallel_loop3A_89 : vector<16xi1>
      %parallel_loop3A_91 = arith.andi %parallel_loop3A_84, %parallel_loop3A_90 : vector<16xi1>
      tpu.vector_store_idx %arg7[%parallel_loop3A_65], %parallel_loop3A_88 masked %parallel_loop3A_91 {add = true} : memref<128xf32, #tpu.memory_space<vmem>>[vector<16xi32>], vector<16xf32>, vector<16xi1>
    } {sc.loop_unroll_factor = 8 : i64, sc.parallel_access}
    %mul3A_50 = arith.constant 128 : i32
    %mul3A_51 = arith.muli %arg1, %mul3A_50 : i32
    "tpu.region"() ({
      %run_scoped3A = tpu.sem_alloc : memref<!tpu.dma_semaphore, #tpu.memory_space<semaphore_mem>>
      %dma_start3A = tpu.memref_slice %arg9[%mul3A_51] : memref<2048xf32, #tpu.memory_space<vmem_shared>> -> memref<128xf32, #tpu.memory_space<vmem_shared>>
      %dma_start3A_57 = tpu.memref_slice %arg9[%mul3A_51] : memref<2048xf32, #tpu.memory_space<vmem_shared>> -> memref<128xf32, #tpu.memory_space<vmem_shared>>
      tpu.enqueue_dma source(%arg7 : memref<128xf32, #tpu.memory_space<vmem>>) target(%dma_start3A_57 : memref<128xf32, #tpu.memory_space<vmem_shared>>) target_semaphore(%run_scoped3A : memref<!tpu.dma_semaphore, #tpu.memory_space<semaphore_mem>>)
      %dma_wait3A = tpu.memref_slice %arg9[%mul3A_51] : memref<2048xf32, #tpu.memory_space<vmem_shared>> -> memref<128xf32, #tpu.memory_space<vmem_shared>>
      %dma_wait3A_58 = tpu.memref_slice %arg9[%mul3A_51] : memref<2048xf32, #tpu.memory_space<vmem_shared>> -> memref<128xf32, #tpu.memory_space<vmem_shared>>
      tpu.wait_dma2 semaphore(%run_scoped3A : memref<!tpu.dma_semaphore, #tpu.memory_space<semaphore_mem>>) src(%arg7 : memref<128xf32, #tpu.memory_space<vmem>>) dst(%dma_wait3A_58 : memref<128xf32, #tpu.memory_space<vmem_shared>>)
      tpu.yield
    }) : () -> ()
    %barrier3A = arith.constant 0 : index
    tpu.barrier barrier_id(%barrier3A)
    %eq3A_52 = arith.constant 0 : i32
    %eq3A_53 = arith.cmpi eq, %arg1, %eq3A_52 : i32
    %convert_element_type3A_54 = arith.extui %eq3A_53 : i1 to i32
    %cond3A_55 = arith.constant 0 : i32
    %cond3A_56 = arith.cmpi ne, %convert_element_type3A_54, %cond3A_55 : i32
    scf.if %cond3A_56 {
      "tpu.region"() ({
        %run_scoped3A = tpu.sem_alloc : memref<!tpu.dma_semaphore, #tpu.memory_space<semaphore_mem>>
        tpu.enqueue_dma source(%arg9 : memref<2048xf32, #tpu.memory_space<vmem_shared>>) target(%arg8 : memref<2048xf32, #tpu.memory_space<vmem>>) target_semaphore(%run_scoped3A : memref<!tpu.dma_semaphore, #tpu.memory_space<semaphore_mem>>)
        tpu.wait_dma2 semaphore(%run_scoped3A : memref<!tpu.dma_semaphore, #tpu.memory_space<semaphore_mem>>) src(%arg9 : memref<2048xf32, #tpu.memory_space<vmem_shared>>) dst(%arg8 : memref<2048xf32, #tpu.memory_space<vmem>>)
        tpu.yield
      }) : () -> ()
      %get3A = arith.constant 0 : index
      %get3A_57 = tpu.vector_load %arg8[%get3A] {strides = array<i32>} : memref<2048xf32, #tpu.memory_space<vmem>>, vector<16xf32>,
      %get3A_58 = arith.constant 128 : index
      %get3A_59 = tpu.vector_load %arg8[%get3A_58] {strides = array<i32>} : memref<2048xf32, #tpu.memory_space<vmem>>, vector<16xf32>,
      %add3A = arith.addf %get3A_57, %get3A_59 : vector<16xf32>
      %get3A_60 = arith.constant 256 : index
      %get3A_61 = tpu.vector_load %arg8[%get3A_60] {strides = array<i32>} : memref<2048xf32, #tpu.memory_space<vmem>>, vector<16xf32>,
      %add3A_62 = arith.addf %add3A, %get3A_61 : vector<16xf32>
      %get3A_63 = arith.constant 384 : index
      %get3A_64 = tpu.vector_load %arg8[%get3A_63] {strides = array<i32>} : memref<2048xf32, #tpu.memory_space<vmem>>, vector<16xf32>,
      %add3A_65 = arith.addf %add3A_62, %get3A_64 : vector<16xf32>
      %get3A_66 = arith.constant 512 : index
      %get3A_67 = tpu.vector_load %arg8[%get3A_66] {strides = array<i32>} : memref<2048xf32, #tpu.memory_space<vmem>>, vector<16xf32>,
      %add3A_68 = arith.addf %add3A_65, %get3A_67 : vector<16xf32>
      %get3A_69 = arith.constant 640 : index
      %get3A_70 = tpu.vector_load %arg8[%get3A_69] {strides = array<i32>} : memref<2048xf32, #tpu.memory_space<vmem>>, vector<16xf32>,
      %add3A_71 = arith.addf %add3A_68, %get3A_70 : vector<16xf32>
      %get3A_72 = arith.constant 768 : index
      %get3A_73 = tpu.vector_load %arg8[%get3A_72] {strides = array<i32>} : memref<2048xf32, #tpu.memory_space<vmem>>, vector<16xf32>,
      %add3A_74 = arith.addf %add3A_71, %get3A_73 : vector<16xf32>
      %get3A_75 = arith.constant 896 : index
      %get3A_76 = tpu.vector_load %arg8[%get3A_75] {strides = array<i32>} : memref<2048xf32, #tpu.memory_space<vmem>>, vector<16xf32>,
      %add3A_77 = arith.addf %add3A_74, %get3A_76 : vector<16xf32>
      %get3A_78 = arith.constant 1024 : index
      %get3A_79 = tpu.vector_load %arg8[%get3A_78] {strides = array<i32>} : memref<2048xf32, #tpu.memory_space<vmem>>, vector<16xf32>,
      %add3A_80 = arith.addf %add3A_77, %get3A_79 : vector<16xf32>
      %get3A_81 = arith.constant 1152 : index
      %get3A_82 = tpu.vector_load %arg8[%get3A_81] {strides = array<i32>} : memref<2048xf32, #tpu.memory_space<vmem>>, vector<16xf32>,
      %add3A_83 = arith.addf %add3A_80, %get3A_82 : vector<16xf32>
      %get3A_84 = arith.constant 1280 : index
      %get3A_85 = tpu.vector_load %arg8[%get3A_84] {strides = array<i32>} : memref<2048xf32, #tpu.memory_space<vmem>>, vector<16xf32>,
      %add3A_86 = arith.addf %add3A_83, %get3A_85 : vector<16xf32>
      %get3A_87 = arith.constant 1408 : index
      %get3A_88 = tpu.vector_load %arg8[%get3A_87] {strides = array<i32>} : memref<2048xf32, #tpu.memory_space<vmem>>, vector<16xf32>,
      %add3A_89 = arith.addf %add3A_86, %get3A_88 : vector<16xf32>
      %get3A_90 = arith.constant 1536 : index
      %get3A_91 = tpu.vector_load %arg8[%get3A_90] {strides = array<i32>} : memref<2048xf32, #tpu.memory_space<vmem>>, vector<16xf32>,
      %add3A_92 = arith.addf %add3A_89, %get3A_91 : vector<16xf32>
      %get3A_93 = arith.constant 1664 : index
      %get3A_94 = tpu.vector_load %arg8[%get3A_93] {strides = array<i32>} : memref<2048xf32, #tpu.memory_space<vmem>>, vector<16xf32>,
      %add3A_95 = arith.addf %add3A_92, %get3A_94 : vector<16xf32>
      %get3A_96 = arith.constant 1792 : index
      %get3A_97 = tpu.vector_load %arg8[%get3A_96] {strides = array<i32>} : memref<2048xf32, #tpu.memory_space<vmem>>, vector<16xf32>,
      %add3A_98 = arith.addf %add3A_95, %get3A_97 : vector<16xf32>
      %get3A_99 = arith.constant 1920 : index
      %get3A_100 = tpu.vector_load %arg8[%get3A_99] {strides = array<i32>} : memref<2048xf32, #tpu.memory_space<vmem>>, vector<16xf32>,
      %add3A_101 = arith.addf %add3A_98, %get3A_100 : vector<16xf32>
      %swap3A_102 = arith.constant 0 : index
      %swap3A_103 = tpu.vector_load %arg7[%swap3A_102] {strides = array<i32>} : memref<128xf32, #tpu.memory_space<vmem>>, vector<16xf32>,
      tpu.vector_store %arg7[%swap3A_102], %add3A_101 {strides = array<i32>} : memref<128xf32, #tpu.memory_space<vmem>>, vector<16xf32>,
      %get3A_104 = arith.constant 16 : index
      %get3A_105 = tpu.vector_load %arg8[%get3A_104] {strides = array<i32>} : memref<2048xf32, #tpu.memory_space<vmem>>, vector<16xf32>,
      %get3A_106 = arith.constant 144 : index
      %get3A_107 = tpu.vector_load %arg8[%get3A_106] {strides = array<i32>} : memref<2048xf32, #tpu.memory_space<vmem>>, vector<16xf32>,
      %add3A_108 = arith.addf %get3A_105, %get3A_107 : vector<16xf32>
      %get3A_109 = arith.constant 272 : index
      %get3A_110 = tpu.vector_load %arg8[%get3A_109] {strides = array<i32>} : memref<2048xf32, #tpu.memory_space<vmem>>, vector<16xf32>,
      %add3A_111 = arith.addf %add3A_108, %get3A_110 : vector<16xf32>
      %get3A_112 = arith.constant 400 : index
      %get3A_113 = tpu.vector_load %arg8[%get3A_112] {strides = array<i32>} : memref<2048xf32, #tpu.memory_space<vmem>>, vector<16xf32>,
      %add3A_114 = arith.addf %add3A_111, %get3A_113 : vector<16xf32>
      %get3A_115 = arith.constant 528 : index
      %get3A_116 = tpu.vector_load %arg8[%get3A_115] {strides = array<i32>} : memref<2048xf32, #tpu.memory_space<vmem>>, vector<16xf32>,
      %add3A_117 = arith.addf %add3A_114, %get3A_116 : vector<16xf32>
      %get3A_118 = arith.constant 656 : index
      %get3A_119 = tpu.vector_load %arg8[%get3A_118] {strides = array<i32>} : memref<2048xf32, #tpu.memory_space<vmem>>, vector<16xf32>,
      %add3A_120 = arith.addf %add3A_117, %get3A_119 : vector<16xf32>
      %get3A_121 = arith.constant 784 : index
      %get3A_122 = tpu.vector_load %arg8[%get3A_121] {strides = array<i32>} : memref<2048xf32, #tpu.memory_space<vmem>>, vector<16xf32>,
      %add3A_123 = arith.addf %add3A_120, %get3A_122 : vector<16xf32>
      %get3A_124 = arith.constant 912 : index
      %get3A_125 = tpu.vector_load %arg8[%get3A_124] {strides = array<i32>} : memref<2048xf32, #tpu.memory_space<vmem>>, vector<16xf32>,
      %add3A_126 = arith.addf %add3A_123, %get3A_125 : vector<16xf32>
      %get3A_127 = arith.constant 1040 : index
      %get3A_128 = tpu.vector_load %arg8[%get3A_127] {strides = array<i32>} : memref<2048xf32, #tpu.memory_space<vmem>>, vector<16xf32>,
      %add3A_129 = arith.addf %add3A_126, %get3A_128 : vector<16xf32>
      %get3A_130 = arith.constant 1168 : index
      %get3A_131 = tpu.vector_load %arg8[%get3A_130] {strides = array<i32>} : memref<2048xf32, #tpu.memory_space<vmem>>, vector<16xf32>,
      %add3A_132 = arith.addf %add3A_129, %get3A_131 : vector<16xf32>
      %get3A_133 = arith.constant 1296 : index
      %get3A_134 = tpu.vector_load %arg8[%get3A_133] {strides = array<i32>} : memref<2048xf32, #tpu.memory_space<vmem>>, vector<16xf32>,
      %add3A_135 = arith.addf %add3A_132, %get3A_134 : vector<16xf32>
      %get3A_136 = arith.constant 1424 : index
      %get3A_137 = tpu.vector_load %arg8[%get3A_136] {strides = array<i32>} : memref<2048xf32, #tpu.memory_space<vmem>>, vector<16xf32>,
      %add3A_138 = arith.addf %add3A_135, %get3A_137 : vector<16xf32>
      %get3A_139 = arith.constant 1552 : index
      %get3A_140 = tpu.vector_load %arg8[%get3A_139] {strides = array<i32>} : memref<2048xf32, #tpu.memory_space<vmem>>, vector<16xf32>,
      %add3A_141 = arith.addf %add3A_138, %get3A_140 : vector<16xf32>
      %get3A_142 = arith.constant 1680 : index
      %get3A_143 = tpu.vector_load %arg8[%get3A_142] {strides = array<i32>} : memref<2048xf32, #tpu.memory_space<vmem>>, vector<16xf32>,
      %add3A_144 = arith.addf %add3A_141, %get3A_143 : vector<16xf32>
      %get3A_145 = arith.constant 1808 : index
      %get3A_146 = tpu.vector_load %arg8[%get3A_145] {strides = array<i32>} : memref<2048xf32, #tpu.memory_space<vmem>>, vector<16xf32>,
      %add3A_147 = arith.addf %add3A_144, %get3A_146 : vector<16xf32>
      %get3A_148 = arith.constant 1936 : index
      %get3A_149 = tpu.vector_load %arg8[%get3A_148] {strides = array<i32>} : memref<2048xf32, #tpu.memory_space<vmem>>, vector<16xf32>,
      %add3A_150 = arith.addf %add3A_147, %get3A_149 : vector<16xf32>
      %swap3A_151 = arith.constant 16 : index
      %swap3A_152 = tpu.vector_load %arg7[%swap3A_151] {strides = array<i32>} : memref<128xf32, #tpu.memory_space<vmem>>, vector<16xf32>,
      tpu.vector_store %arg7[%swap3A_151], %add3A_150 {strides = array<i32>} : memref<128xf32, #tpu.memory_space<vmem>>, vector<16xf32>,
      %get3A_153 = arith.constant 32 : index
      %get3A_154 = tpu.vector_load %arg8[%get3A_153] {strides = array<i32>} : memref<2048xf32, #tpu.memory_space<vmem>>, vector<16xf32>,
      %get3A_155 = arith.constant 160 : index
      %get3A_156 = tpu.vector_load %arg8[%get3A_155] {strides = array<i32>} : memref<2048xf32, #tpu.memory_space<vmem>>, vector<16xf32>,
      %add3A_157 = arith.addf %get3A_154, %get3A_156 : vector<16xf32>
      %get3A_158 = arith.constant 288 : index
      %get3A_159 = tpu.vector_load %arg8[%get3A_158] {strides = array<i32>} : memref<2048xf32, #tpu.memory_space<vmem>>, vector<16xf32>,
      %add3A_160 = arith.addf %add3A_157, %get3A_159 : vector<16xf32>
      %get3A_161 = arith.constant 416 : index
      %get3A_162 = tpu.vector_load %arg8[%get3A_161] {strides = array<i32>} : memref<2048xf32, #tpu.memory_space<vmem>>, vector<16xf32>,
      %add3A_163 = arith.addf %add3A_160, %get3A_162 : vector<16xf32>
      %get3A_164 = arith.constant 544 : index
      %get3A_165 = tpu.vector_load %arg8[%get3A_164] {strides = array<i32>} : memref<2048xf32, #tpu.memory_space<vmem>>, vector<16xf32>,
      %add3A_166 = arith.addf %add3A_163, %get3A_165 : vector<16xf32>
      %get3A_167 = arith.constant 672 : index
      %get3A_168 = tpu.vector_load %arg8[%get3A_167] {strides = array<i32>} : memref<2048xf32, #tpu.memory_space<vmem>>, vector<16xf32>,
      %add3A_169 = arith.addf %add3A_166, %get3A_168 : vector<16xf32>
      %get3A_170 = arith.constant 800 : index
      %get3A_171 = tpu.vector_load %arg8[%get3A_170] {strides = array<i32>} : memref<2048xf32, #tpu.memory_space<vmem>>, vector<16xf32>,
      %add3A_172 = arith.addf %add3A_169, %get3A_171 : vector<16xf32>
      %get3A_173 = arith.constant 928 : index
      %get3A_174 = tpu.vector_load %arg8[%get3A_173] {strides = array<i32>} : memref<2048xf32, #tpu.memory_space<vmem>>, vector<16xf32>,
      %add3A_175 = arith.addf %add3A_172, %get3A_174 : vector<16xf32>
      %get3A_176 = arith.constant 1056 : index
      %get3A_177 = tpu.vector_load %arg8[%get3A_176] {strides = array<i32>} : memref<2048xf32, #tpu.memory_space<vmem>>, vector<16xf32>,
      %add3A_178 = arith.addf %add3A_175, %get3A_177 : vector<16xf32>
      %get3A_179 = arith.constant 1184 : index
      %get3A_180 = tpu.vector_load %arg8[%get3A_179] {strides = array<i32>} : memref<2048xf32, #tpu.memory_space<vmem>>, vector<16xf32>,
      %add3A_181 = arith.addf %add3A_178, %get3A_180 : vector<16xf32>
      %get3A_182 = arith.constant 1312 : index
      %get3A_183 = tpu.vector_load %arg8[%get3A_182] {strides = array<i32>} : memref<2048xf32, #tpu.memory_space<vmem>>, vector<16xf32>,
      %add3A_184 = arith.addf %add3A_181, %get3A_183 : vector<16xf32>
      %get3A_185 = arith.constant 1440 : index
      %get3A_186 = tpu.vector_load %arg8[%get3A_185] {strides = array<i32>} : memref<2048xf32, #tpu.memory_space<vmem>>, vector<16xf32>,
      %add3A_187 = arith.addf %add3A_184, %get3A_186 : vector<16xf32>
      %get3A_188 = arith.constant 1568 : index
      %get3A_189 = tpu.vector_load %arg8[%get3A_188] {strides = array<i32>} : memref<2048xf32, #tpu.memory_space<vmem>>, vector<16xf32>,
      %add3A_190 = arith.addf %add3A_187, %get3A_189 : vector<16xf32>
      %get3A_191 = arith.constant 1696 : index
      %get3A_192 = tpu.vector_load %arg8[%get3A_191] {strides = array<i32>} : memref<2048xf32, #tpu.memory_space<vmem>>, vector<16xf32>,
      %add3A_193 = arith.addf %add3A_190, %get3A_192 : vector<16xf32>
      %get3A_194 = arith.constant 1824 : index
      %get3A_195 = tpu.vector_load %arg8[%get3A_194] {strides = array<i32>} : memref<2048xf32, #tpu.memory_space<vmem>>, vector<16xf32>,
      %add3A_196 = arith.addf %add3A_193, %get3A_195 : vector<16xf32>
      %get3A_197 = arith.constant 1952 : index
      %get3A_198 = tpu.vector_load %arg8[%get3A_197] {strides = array<i32>} : memref<2048xf32, #tpu.memory_space<vmem>>, vector<16xf32>,
      %add3A_199 = arith.addf %add3A_196, %get3A_198 : vector<16xf32>
      %swap3A_200 = arith.constant 32 : index
      %swap3A_201 = tpu.vector_load %arg7[%swap3A_200] {strides = array<i32>} : memref<128xf32, #tpu.memory_space<vmem>>, vector<16xf32>,
      tpu.vector_store %arg7[%swap3A_200], %add3A_199 {strides = array<i32>} : memref<128xf32, #tpu.memory_space<vmem>>, vector<16xf32>,
      %get3A_202 = arith.constant 48 : index
      %get3A_203 = tpu.vector_load %arg8[%get3A_202] {strides = array<i32>} : memref<2048xf32, #tpu.memory_space<vmem>>, vector<16xf32>,
      %get3A_204 = arith.constant 176 : index
      %get3A_205 = tpu.vector_load %arg8[%get3A_204] {strides = array<i32>} : memref<2048xf32, #tpu.memory_space<vmem>>, vector<16xf32>,
      %add3A_206 = arith.addf %get3A_203, %get3A_205 : vector<16xf32>
      %get3A_207 = arith.constant 304 : index
      %get3A_208 = tpu.vector_load %arg8[%get3A_207] {strides = array<i32>} : memref<2048xf32, #tpu.memory_space<vmem>>, vector<16xf32>,
      %add3A_209 = arith.addf %add3A_206, %get3A_208 : vector<16xf32>
      %get3A_210 = arith.constant 432 : index
      %get3A_211 = tpu.vector_load %arg8[%get3A_210] {strides = array<i32>} : memref<2048xf32, #tpu.memory_space<vmem>>, vector<16xf32>,
      %add3A_212 = arith.addf %add3A_209, %get3A_211 : vector<16xf32>
      %get3A_213 = arith.constant 560 : index
      %get3A_214 = tpu.vector_load %arg8[%get3A_213] {strides = array<i32>} : memref<2048xf32, #tpu.memory_space<vmem>>, vector<16xf32>,
      %add3A_215 = arith.addf %add3A_212, %get3A_214 : vector<16xf32>
      %get3A_216 = arith.constant 688 : index
      %get3A_217 = tpu.vector_load %arg8[%get3A_216] {strides = array<i32>} : memref<2048xf32, #tpu.memory_space<vmem>>, vector<16xf32>,
      %add3A_218 = arith.addf %add3A_215, %get3A_217 : vector<16xf32>
      %get3A_219 = arith.constant 816 : index
      %get3A_220 = tpu.vector_load %arg8[%get3A_219] {strides = array<i32>} : memref<2048xf32, #tpu.memory_space<vmem>>, vector<16xf32>,
      %add3A_221 = arith.addf %add3A_218, %get3A_220 : vector<16xf32>
      %get3A_222 = arith.constant 944 : index
      %get3A_223 = tpu.vector_load %arg8[%get3A_222] {strides = array<i32>} : memref<2048xf32, #tpu.memory_space<vmem>>, vector<16xf32>,
      %add3A_224 = arith.addf %add3A_221, %get3A_223 : vector<16xf32>
      %get3A_225 = arith.constant 1072 : index
      %get3A_226 = tpu.vector_load %arg8[%get3A_225] {strides = array<i32>} : memref<2048xf32, #tpu.memory_space<vmem>>, vector<16xf32>,
      %add3A_227 = arith.addf %add3A_224, %get3A_226 : vector<16xf32>
      %get3A_228 = arith.constant 1200 : index
      %get3A_229 = tpu.vector_load %arg8[%get3A_228] {strides = array<i32>} : memref<2048xf32, #tpu.memory_space<vmem>>, vector<16xf32>,
      %add3A_230 = arith.addf %add3A_227, %get3A_229 : vector<16xf32>
      %get3A_231 = arith.constant 1328 : index
      %get3A_232 = tpu.vector_load %arg8[%get3A_231] {strides = array<i32>} : memref<2048xf32, #tpu.memory_space<vmem>>, vector<16xf32>,
      %add3A_233 = arith.addf %add3A_230, %get3A_232 : vector<16xf32>
      %get3A_234 = arith.constant 1456 : index
      %get3A_235 = tpu.vector_load %arg8[%get3A_234] {strides = array<i32>} : memref<2048xf32, #tpu.memory_space<vmem>>, vector<16xf32>,
      %add3A_236 = arith.addf %add3A_233, %get3A_235 : vector<16xf32>
      %get3A_237 = arith.constant 1584 : index
      %get3A_238 = tpu.vector_load %arg8[%get3A_237] {strides = array<i32>} : memref<2048xf32, #tpu.memory_space<vmem>>, vector<16xf32>,
      %add3A_239 = arith.addf %add3A_236, %get3A_238 : vector<16xf32>
      %get3A_240 = arith.constant 1712 : index
      %get3A_241 = tpu.vector_load %arg8[%get3A_240] {strides = array<i32>} : memref<2048xf32, #tpu.memory_space<vmem>>, vector<16xf32>,
      %add3A_242 = arith.addf %add3A_239, %get3A_241 : vector<16xf32>
      %get3A_243 = arith.constant 1840 : index
      %get3A_244 = tpu.vector_load %arg8[%get3A_243] {strides = array<i32>} : memref<2048xf32, #tpu.memory_space<vmem>>, vector<16xf32>,
      %add3A_245 = arith.addf %add3A_242, %get3A_244 : vector<16xf32>
      %get3A_246 = arith.constant 1968 : index
      %get3A_247 = tpu.vector_load %arg8[%get3A_246] {strides = array<i32>} : memref<2048xf32, #tpu.memory_space<vmem>>, vector<16xf32>,
      %add3A_248 = arith.addf %add3A_245, %get3A_247 : vector<16xf32>
      %swap3A_249 = arith.constant 48 : index
      %swap3A_250 = tpu.vector_load %arg7[%swap3A_249] {strides = array<i32>} : memref<128xf32, #tpu.memory_space<vmem>>, vector<16xf32>,
      tpu.vector_store %arg7[%swap3A_249], %add3A_248 {strides = array<i32>} : memref<128xf32, #tpu.memory_space<vmem>>, vector<16xf32>,
      %get3A_251 = arith.constant 64 : index
      %get3A_252 = tpu.vector_load %arg8[%get3A_251] {strides = array<i32>} : memref<2048xf32, #tpu.memory_space<vmem>>, vector<16xf32>,
      %get3A_253 = arith.constant 192 : index
      %get3A_254 = tpu.vector_load %arg8[%get3A_253] {strides = array<i32>} : memref<2048xf32, #tpu.memory_space<vmem>>, vector<16xf32>,
      %add3A_255 = arith.addf %get3A_252, %get3A_254 : vector<16xf32>
      %get3A_256 = arith.constant 320 : index
      %get3A_257 = tpu.vector_load %arg8[%get3A_256] {strides = array<i32>} : memref<2048xf32, #tpu.memory_space<vmem>>, vector<16xf32>,
      %add3A_258 = arith.addf %add3A_255, %get3A_257 : vector<16xf32>
      %get3A_259 = arith.constant 448 : index
      %get3A_260 = tpu.vector_load %arg8[%get3A_259] {strides = array<i32>} : memref<2048xf32, #tpu.memory_space<vmem>>, vector<16xf32>,
      %add3A_261 = arith.addf %add3A_258, %get3A_260 : vector<16xf32>
      %get3A_262 = arith.constant 576 : index
      %get3A_263 = tpu.vector_load %arg8[%get3A_262] {strides = array<i32>} : memref<2048xf32, #tpu.memory_space<vmem>>, vector<16xf32>,
      %add3A_264 = arith.addf %add3A_261, %get3A_263 : vector<16xf32>
      %get3A_265 = arith.constant 704 : index
      %get3A_266 = tpu.vector_load %arg8[%get3A_265] {strides = array<i32>} : memref<2048xf32, #tpu.memory_space<vmem>>, vector<16xf32>,
      %add3A_267 = arith.addf %add3A_264, %get3A_266 : vector<16xf32>
      %get3A_268 = arith.constant 832 : index
      %get3A_269 = tpu.vector_load %arg8[%get3A_268] {strides = array<i32>} : memref<2048xf32, #tpu.memory_space<vmem>>, vector<16xf32>,
      %add3A_270 = arith.addf %add3A_267, %get3A_269 : vector<16xf32>
      %get3A_271 = arith.constant 960 : index
      %get3A_272 = tpu.vector_load %arg8[%get3A_271] {strides = array<i32>} : memref<2048xf32, #tpu.memory_space<vmem>>, vector<16xf32>,
      %add3A_273 = arith.addf %add3A_270, %get3A_272 : vector<16xf32>
      %get3A_274 = arith.constant 1088 : index
      %get3A_275 = tpu.vector_load %arg8[%get3A_274] {strides = array<i32>} : memref<2048xf32, #tpu.memory_space<vmem>>, vector<16xf32>,
      %add3A_276 = arith.addf %add3A_273, %get3A_275 : vector<16xf32>
      %get3A_277 = arith.constant 1216 : index
      %get3A_278 = tpu.vector_load %arg8[%get3A_277] {strides = array<i32>} : memref<2048xf32, #tpu.memory_space<vmem>>, vector<16xf32>,
      %add3A_279 = arith.addf %add3A_276, %get3A_278 : vector<16xf32>
      %get3A_280 = arith.constant 1344 : index
      %get3A_281 = tpu.vector_load %arg8[%get3A_280] {strides = array<i32>} : memref<2048xf32, #tpu.memory_space<vmem>>, vector<16xf32>,
      %add3A_282 = arith.addf %add3A_279, %get3A_281 : vector<16xf32>
      %get3A_283 = arith.constant 1472 : index
      %get3A_284 = tpu.vector_load %arg8[%get3A_283] {strides = array<i32>} : memref<2048xf32, #tpu.memory_space<vmem>>, vector<16xf32>,
      %add3A_285 = arith.addf %add3A_282, %get3A_284 : vector<16xf32>
      %get3A_286 = arith.constant 1600 : index
      %get3A_287 = tpu.vector_load %arg8[%get3A_286] {strides = array<i32>} : memref<2048xf32, #tpu.memory_space<vmem>>, vector<16xf32>,
      %add3A_288 = arith.addf %add3A_285, %get3A_287 : vector<16xf32>
      %get3A_289 = arith.constant 1728 : index
      %get3A_290 = tpu.vector_load %arg8[%get3A_289] {strides = array<i32>} : memref<2048xf32, #tpu.memory_space<vmem>>, vector<16xf32>,
      %add3A_291 = arith.addf %add3A_288, %get3A_290 : vector<16xf32>
      %get3A_292 = arith.constant 1856 : index
      %get3A_293 = tpu.vector_load %arg8[%get3A_292] {strides = array<i32>} : memref<2048xf32, #tpu.memory_space<vmem>>, vector<16xf32>,
      %add3A_294 = arith.addf %add3A_291, %get3A_293 : vector<16xf32>
      %get3A_295 = arith.constant 1984 : index
      %get3A_296 = tpu.vector_load %arg8[%get3A_295] {strides = array<i32>} : memref<2048xf32, #tpu.memory_space<vmem>>, vector<16xf32>,
      %add3A_297 = arith.addf %add3A_294, %get3A_296 : vector<16xf32>
      %swap3A_298 = arith.constant 64 : index
      %swap3A_299 = tpu.vector_load %arg7[%swap3A_298] {strides = array<i32>} : memref<128xf32, #tpu.memory_space<vmem>>, vector<16xf32>,
      tpu.vector_store %arg7[%swap3A_298], %add3A_297 {strides = array<i32>} : memref<128xf32, #tpu.memory_space<vmem>>, vector<16xf32>,
      %get3A_300 = arith.constant 80 : index
      %get3A_301 = tpu.vector_load %arg8[%get3A_300] {strides = array<i32>} : memref<2048xf32, #tpu.memory_space<vmem>>, vector<16xf32>,
      %get3A_302 = arith.constant 208 : index
      %get3A_303 = tpu.vector_load %arg8[%get3A_302] {strides = array<i32>} : memref<2048xf32, #tpu.memory_space<vmem>>, vector<16xf32>,
      %add3A_304 = arith.addf %get3A_301, %get3A_303 : vector<16xf32>
      %get3A_305 = arith.constant 336 : index
      %get3A_306 = tpu.vector_load %arg8[%get3A_305] {strides = array<i32>} : memref<2048xf32, #tpu.memory_space<vmem>>, vector<16xf32>,
      %add3A_307 = arith.addf %add3A_304, %get3A_306 : vector<16xf32>
      %get3A_308 = arith.constant 464 : index
      %get3A_309 = tpu.vector_load %arg8[%get3A_308] {strides = array<i32>} : memref<2048xf32, #tpu.memory_space<vmem>>, vector<16xf32>,
      %add3A_310 = arith.addf %add3A_307, %get3A_309 : vector<16xf32>
      %get3A_311 = arith.constant 592 : index
      %get3A_312 = tpu.vector_load %arg8[%get3A_311] {strides = array<i32>} : memref<2048xf32, #tpu.memory_space<vmem>>, vector<16xf32>,
      %add3A_313 = arith.addf %add3A_310, %get3A_312 : vector<16xf32>
      %get3A_314 = arith.constant 720 : index
      %get3A_315 = tpu.vector_load %arg8[%get3A_314] {strides = array<i32>} : memref<2048xf32, #tpu.memory_space<vmem>>, vector<16xf32>,
      %add3A_316 = arith.addf %add3A_313, %get3A_315 : vector<16xf32>
      %get3A_317 = arith.constant 848 : index
      %get3A_318 = tpu.vector_load %arg8[%get3A_317] {strides = array<i32>} : memref<2048xf32, #tpu.memory_space<vmem>>, vector<16xf32>,
      %add3A_319 = arith.addf %add3A_316, %get3A_318 : vector<16xf32>
      %get3A_320 = arith.constant 976 : index
      %get3A_321 = tpu.vector_load %arg8[%get3A_320] {strides = array<i32>} : memref<2048xf32, #tpu.memory_space<vmem>>, vector<16xf32>,
      %add3A_322 = arith.addf %add3A_319, %get3A_321 : vector<16xf32>
      %get3A_323 = arith.constant 1104 : index
      %get3A_324 = tpu.vector_load %arg8[%get3A_323] {strides = array<i32>} : memref<2048xf32, #tpu.memory_space<vmem>>, vector<16xf32>,
      %add3A_325 = arith.addf %add3A_322, %get3A_324 : vector<16xf32>
      %get3A_326 = arith.constant 1232 : index
      %get3A_327 = tpu.vector_load %arg8[%get3A_326] {strides = array<i32>} : memref<2048xf32, #tpu.memory_space<vmem>>, vector<16xf32>,
      %add3A_328 = arith.addf %add3A_325, %get3A_327 : vector<16xf32>
      %get3A_329 = arith.constant 1360 : index
      %get3A_330 = tpu.vector_load %arg8[%get3A_329] {strides = array<i32>} : memref<2048xf32, #tpu.memory_space<vmem>>, vector<16xf32>,
      %add3A_331 = arith.addf %add3A_328, %get3A_330 : vector<16xf32>
      %get3A_332 = arith.constant 1488 : index
      %get3A_333 = tpu.vector_load %arg8[%get3A_332] {strides = array<i32>} : memref<2048xf32, #tpu.memory_space<vmem>>, vector<16xf32>,
      %add3A_334 = arith.addf %add3A_331, %get3A_333 : vector<16xf32>
      %get3A_335 = arith.constant 1616 : index
      %get3A_336 = tpu.vector_load %arg8[%get3A_335] {strides = array<i32>} : memref<2048xf32, #tpu.memory_space<vmem>>, vector<16xf32>,
      %add3A_337 = arith.addf %add3A_334, %get3A_336 : vector<16xf32>
      %get3A_338 = arith.constant 1744 : index
      %get3A_339 = tpu.vector_load %arg8[%get3A_338] {strides = array<i32>} : memref<2048xf32, #tpu.memory_space<vmem>>, vector<16xf32>,
      %add3A_340 = arith.addf %add3A_337, %get3A_339 : vector<16xf32>
      %get3A_341 = arith.constant 1872 : index
      %get3A_342 = tpu.vector_load %arg8[%get3A_341] {strides = array<i32>} : memref<2048xf32, #tpu.memory_space<vmem>>, vector<16xf32>,
      %add3A_343 = arith.addf %add3A_340, %get3A_342 : vector<16xf32>
      %get3A_344 = arith.constant 2000 : index
      %get3A_345 = tpu.vector_load %arg8[%get3A_344] {strides = array<i32>} : memref<2048xf32, #tpu.memory_space<vmem>>, vector<16xf32>,
      %add3A_346 = arith.addf %add3A_343, %get3A_345 : vector<16xf32>
      %swap3A_347 = arith.constant 80 : index
      %swap3A_348 = tpu.vector_load %arg7[%swap3A_347] {strides = array<i32>} : memref<128xf32, #tpu.memory_space<vmem>>, vector<16xf32>,
      tpu.vector_store %arg7[%swap3A_347], %add3A_346 {strides = array<i32>} : memref<128xf32, #tpu.memory_space<vmem>>, vector<16xf32>,
      %get3A_349 = arith.constant 96 : index
      %get3A_350 = tpu.vector_load %arg8[%get3A_349] {strides = array<i32>} : memref<2048xf32, #tpu.memory_space<vmem>>, vector<16xf32>,
      %get3A_351 = arith.constant 224 : index
      %get3A_352 = tpu.vector_load %arg8[%get3A_351] {strides = array<i32>} : memref<2048xf32, #tpu.memory_space<vmem>>, vector<16xf32>,
      %add3A_353 = arith.addf %get3A_350, %get3A_352 : vector<16xf32>
      %get3A_354 = arith.constant 352 : index
      %get3A_355 = tpu.vector_load %arg8[%get3A_354] {strides = array<i32>} : memref<2048xf32, #tpu.memory_space<vmem>>, vector<16xf32>,
      %add3A_356 = arith.addf %add3A_353, %get3A_355 : vector<16xf32>
      %get3A_357 = arith.constant 480 : index
      %get3A_358 = tpu.vector_load %arg8[%get3A_357] {strides = array<i32>} : memref<2048xf32, #tpu.memory_space<vmem>>, vector<16xf32>,
      %add3A_359 = arith.addf %add3A_356, %get3A_358 : vector<16xf32>
      %get3A_360 = arith.constant 608 : index
      %get3A_361 = tpu.vector_load %arg8[%get3A_360] {strides = array<i32>} : memref<2048xf32, #tpu.memory_space<vmem>>, vector<16xf32>,
      %add3A_362 = arith.addf %add3A_359, %get3A_361 : vector<16xf32>
      %get3A_363 = arith.constant 736 : index
      %get3A_364 = tpu.vector_load %arg8[%get3A_363] {strides = array<i32>} : memref<2048xf32, #tpu.memory_space<vmem>>, vector<16xf32>,
      %add3A_365 = arith.addf %add3A_362, %get3A_364 : vector<16xf32>
      %get3A_366 = arith.constant 864 : index
      %get3A_367 = tpu.vector_load %arg8[%get3A_366] {strides = array<i32>} : memref<2048xf32, #tpu.memory_space<vmem>>, vector<16xf32>,
      %add3A_368 = arith.addf %add3A_365, %get3A_367 : vector<16xf32>
      %get3A_369 = arith.constant 992 : index
      %get3A_370 = tpu.vector_load %arg8[%get3A_369] {strides = array<i32>} : memref<2048xf32, #tpu.memory_space<vmem>>, vector<16xf32>,
      %add3A_371 = arith.addf %add3A_368, %get3A_370 : vector<16xf32>
      %get3A_372 = arith.constant 1120 : index
      %get3A_373 = tpu.vector_load %arg8[%get3A_372] {strides = array<i32>} : memref<2048xf32, #tpu.memory_space<vmem>>, vector<16xf32>,
      %add3A_374 = arith.addf %add3A_371, %get3A_373 : vector<16xf32>
      %get3A_375 = arith.constant 1248 : index
      %get3A_376 = tpu.vector_load %arg8[%get3A_375] {strides = array<i32>} : memref<2048xf32, #tpu.memory_space<vmem>>, vector<16xf32>,
      %add3A_377 = arith.addf %add3A_374, %get3A_376 : vector<16xf32>
      %get3A_378 = arith.constant 1376 : index
      %get3A_379 = tpu.vector_load %arg8[%get3A_378] {strides = array<i32>} : memref<2048xf32, #tpu.memory_space<vmem>>, vector<16xf32>,
      %add3A_380 = arith.addf %add3A_377, %get3A_379 : vector<16xf32>
      %get3A_381 = arith.constant 1504 : index
      %get3A_382 = tpu.vector_load %arg8[%get3A_381] {strides = array<i32>} : memref<2048xf32, #tpu.memory_space<vmem>>, vector<16xf32>,
      %add3A_383 = arith.addf %add3A_380, %get3A_382 : vector<16xf32>
      %get3A_384 = arith.constant 1632 : index
      %get3A_385 = tpu.vector_load %arg8[%get3A_384] {strides = array<i32>} : memref<2048xf32, #tpu.memory_space<vmem>>, vector<16xf32>,
      %add3A_386 = arith.addf %add3A_383, %get3A_385 : vector<16xf32>
      %get3A_387 = arith.constant 1760 : index
      %get3A_388 = tpu.vector_load %arg8[%get3A_387] {strides = array<i32>} : memref<2048xf32, #tpu.memory_space<vmem>>, vector<16xf32>,
      %add3A_389 = arith.addf %add3A_386, %get3A_388 : vector<16xf32>
      %get3A_390 = arith.constant 1888 : index
      %get3A_391 = tpu.vector_load %arg8[%get3A_390] {strides = array<i32>} : memref<2048xf32, #tpu.memory_space<vmem>>, vector<16xf32>,
      %add3A_392 = arith.addf %add3A_389, %get3A_391 : vector<16xf32>
      %get3A_393 = arith.constant 2016 : index
      %get3A_394 = tpu.vector_load %arg8[%get3A_393] {strides = array<i32>} : memref<2048xf32, #tpu.memory_space<vmem>>, vector<16xf32>,
      %add3A_395 = arith.addf %add3A_392, %get3A_394 : vector<16xf32>
      %swap3A_396 = arith.constant 96 : index
      %swap3A_397 = tpu.vector_load %arg7[%swap3A_396] {strides = array<i32>} : memref<128xf32, #tpu.memory_space<vmem>>, vector<16xf32>,
      tpu.vector_store %arg7[%swap3A_396], %add3A_395 {strides = array<i32>} : memref<128xf32, #tpu.memory_space<vmem>>, vector<16xf32>,
      %get3A_398 = arith.constant 112 : index
      %get3A_399 = tpu.vector_load %arg8[%get3A_398] {strides = array<i32>} : memref<2048xf32, #tpu.memory_space<vmem>>, vector<16xf32>,
      %get3A_400 = arith.constant 240 : index
      %get3A_401 = tpu.vector_load %arg8[%get3A_400] {strides = array<i32>} : memref<2048xf32, #tpu.memory_space<vmem>>, vector<16xf32>,
      %add3A_402 = arith.addf %get3A_399, %get3A_401 : vector<16xf32>
      %get3A_403 = arith.constant 368 : index
      %get3A_404 = tpu.vector_load %arg8[%get3A_403] {strides = array<i32>} : memref<2048xf32, #tpu.memory_space<vmem>>, vector<16xf32>,
      %add3A_405 = arith.addf %add3A_402, %get3A_404 : vector<16xf32>
      %get3A_406 = arith.constant 496 : index
      %get3A_407 = tpu.vector_load %arg8[%get3A_406] {strides = array<i32>} : memref<2048xf32, #tpu.memory_space<vmem>>, vector<16xf32>,
      %add3A_408 = arith.addf %add3A_405, %get3A_407 : vector<16xf32>
      %get3A_409 = arith.constant 624 : index
      %get3A_410 = tpu.vector_load %arg8[%get3A_409] {strides = array<i32>} : memref<2048xf32, #tpu.memory_space<vmem>>, vector<16xf32>,
      %add3A_411 = arith.addf %add3A_408, %get3A_410 : vector<16xf32>
      %get3A_412 = arith.constant 752 : index
      %get3A_413 = tpu.vector_load %arg8[%get3A_412] {strides = array<i32>} : memref<2048xf32, #tpu.memory_space<vmem>>, vector<16xf32>,
      %add3A_414 = arith.addf %add3A_411, %get3A_413 : vector<16xf32>
      %get3A_415 = arith.constant 880 : index
      %get3A_416 = tpu.vector_load %arg8[%get3A_415] {strides = array<i32>} : memref<2048xf32, #tpu.memory_space<vmem>>, vector<16xf32>,
      %add3A_417 = arith.addf %add3A_414, %get3A_416 : vector<16xf32>
      %get3A_418 = arith.constant 1008 : index
      %get3A_419 = tpu.vector_load %arg8[%get3A_418] {strides = array<i32>} : memref<2048xf32, #tpu.memory_space<vmem>>, vector<16xf32>,
      %add3A_420 = arith.addf %add3A_417, %get3A_419 : vector<16xf32>
      %get3A_421 = arith.constant 1136 : index
      %get3A_422 = tpu.vector_load %arg8[%get3A_421] {strides = array<i32>} : memref<2048xf32, #tpu.memory_space<vmem>>, vector<16xf32>,
      %add3A_423 = arith.addf %add3A_420, %get3A_422 : vector<16xf32>
      %get3A_424 = arith.constant 1264 : index
      %get3A_425 = tpu.vector_load %arg8[%get3A_424] {strides = array<i32>} : memref<2048xf32, #tpu.memory_space<vmem>>, vector<16xf32>,
      %add3A_426 = arith.addf %add3A_423, %get3A_425 : vector<16xf32>
      %get3A_427 = arith.constant 1392 : index
      %get3A_428 = tpu.vector_load %arg8[%get3A_427] {strides = array<i32>} : memref<2048xf32, #tpu.memory_space<vmem>>, vector<16xf32>,
      %add3A_429 = arith.addf %add3A_426, %get3A_428 : vector<16xf32>
      %get3A_430 = arith.constant 1520 : index
      %get3A_431 = tpu.vector_load %arg8[%get3A_430] {strides = array<i32>} : memref<2048xf32, #tpu.memory_space<vmem>>, vector<16xf32>,
      %add3A_432 = arith.addf %add3A_429, %get3A_431 : vector<16xf32>
      %get3A_433 = arith.constant 1648 : index
      %get3A_434 = tpu.vector_load %arg8[%get3A_433] {strides = array<i32>} : memref<2048xf32, #tpu.memory_space<vmem>>, vector<16xf32>,
      %add3A_435 = arith.addf %add3A_432, %get3A_434 : vector<16xf32>
      %get3A_436 = arith.constant 1776 : index
      %get3A_437 = tpu.vector_load %arg8[%get3A_436] {strides = array<i32>} : memref<2048xf32, #tpu.memory_space<vmem>>, vector<16xf32>,
      %add3A_438 = arith.addf %add3A_435, %get3A_437 : vector<16xf32>
      %get3A_439 = arith.constant 1904 : index
      %get3A_440 = tpu.vector_load %arg8[%get3A_439] {strides = array<i32>} : memref<2048xf32, #tpu.memory_space<vmem>>, vector<16xf32>,
      %add3A_441 = arith.addf %add3A_438, %get3A_440 : vector<16xf32>
      %get3A_442 = arith.constant 2032 : index
      %get3A_443 = tpu.vector_load %arg8[%get3A_442] {strides = array<i32>} : memref<2048xf32, #tpu.memory_space<vmem>>, vector<16xf32>,
      %add3A_444 = arith.addf %add3A_441, %get3A_443 : vector<16xf32>
      %swap3A_445 = arith.constant 112 : index
      %swap3A_446 = tpu.vector_load %arg7[%swap3A_445] {strides = array<i32>} : memref<128xf32, #tpu.memory_space<vmem>>, vector<16xf32>,
      tpu.vector_store %arg7[%swap3A_445], %add3A_444 {strides = array<i32>} : memref<128xf32, #tpu.memory_space<vmem>>, vector<16xf32>,
      "tpu.region"() ({
        %run_scoped3A = tpu.sem_alloc : memref<!tpu.dma_semaphore, #tpu.memory_space<semaphore_mem>>
        tpu.enqueue_dma source(%arg7 : memref<128xf32, #tpu.memory_space<vmem>>) target(%arg4 : memref<128xf32, #tpu.memory_space<hbm>>) target_semaphore(%run_scoped3A : memref<!tpu.dma_semaphore, #tpu.memory_space<semaphore_mem>>)
        tpu.wait_dma2 semaphore(%run_scoped3A : memref<!tpu.dma_semaphore, #tpu.memory_space<semaphore_mem>>) src(%arg7 : memref<128xf32, #tpu.memory_space<vmem>>) dst(%arg4 : memref<128xf32, #tpu.memory_space<hbm>>)
        tpu.yield
      }) : () -> ()
    } else {
    }
    return
  }
}

</mosaic_0001>

<sc_bundles>
// kernel: kernel.3.cloned.1.call-start
scs
__scs_entry_jumppad:
0x0: {  	(pc) =	sbr.rel $0x88, $3  }
0x1: {  	(tag) =	ssettag $0x0;
	lr =	simm.s32 $0x1  }
0x2: {  	[smem:$0x3F9F] =	sst lr;
	_ =	strace $0xD0000000  }
0x3: {  	_ = 	snop  }
0x4: {  	_ = 	snop  }
0x5: {  	_ = 	snop  }
0x6: {  	_ = 	snop  }
0x7: {  	_ = 	snop  }
__scs_overlays_trampoline_lowered:
0x8: {  	[smem:$0x3FAE] =	sst s0  }
0x9: {  	[smem:$0x3FAF] =	sst s1  }
0xa: {  	[smem:$0x3FB0] =	sst s2  }
0xb: {  	[smem:$0x3FB1] =	sst s3  }
0xc: {  	[smem:$0x3FB2] =	sst s4  }
0xd: {  	[smem:$0x3FB3] =	sst s5  }
0xe: {  	[smem:$0x3FB4] =	sst s6  }
0xf: {  	[smem:$0x3FB5] =	sst s7  }
0x10: {  	[smem:$0x3FB6] =	sst s8  }
0x11: {  	[smem:$0x3FB7] =	sst s9;
	s0 =	simm.s32 @!p0 $0x0  }
0x12: {  	s1 =	sld [smem:$0x3F9D];
	s0 =	simm.s32 @p0 $0x1  }
0x13: {  	[smem:$0x3FB8] =	sst s0;
	s0 =	simm.s32 @!p1 $0x0  }
0x14: {  	s2 =	sld [smem:$0x3F9C];
	s0 =	simm.s32 @p1 $0x1  }
0x15: {  	[smem:$0x3FB9] =	sst s0;
	s0 =	simm.s32 @!p2 $0x0  }
0x16: {  	s3 =	sld [smem:$0x3FDB];
	s0 =	simm.s32 @p2 $0x1  }
0x17: {  	s4 =	simm.s32 $0x1BF5;
	[smem:$0x3FBB] =	sst s0  }
0x18: {  	s0 =	sld [smem:$0x3F9E];
	_ =	swait.ge [sflag:s4], $0x0  }
0x19: {  	s7 =	sld [smem:$0x3F9F]  }
0x1a: {  	s8 =	sadd.s32 $0xFFFFE003, lr  }
0x1b: {  	s9 =	sadd.s32 $0xFFFFFEF7, lr;
	s5 =	simm.s32 $0xFFFFFFFF;
	p2 =	slt.u32 s8, $0xFFFFF086  }
0x1c: {  	p1 =	slt.u32 s9, $0xF7A;
	s5 =	simm.s32 @!p2 $0x0  }
0x1d: {  	s5 =	simm.s32 @p1 $0x1;
	p0 =	seq.s32 s7, s2  }
0x1e: {  	s7 =	smul.u32 @!p0 $0xF7A, s2;
	p2 =	seq.s32 @!p0 s5, $0x0  }
0x1f: {  	s9 =	smul.u32 $0xF7A, s1;
	s8 =	simm.s32 @!p0 $0x1BF5;
	p2 =	por !p2, p0  }
0x20: {  	[sflag:s8] =	ssyncset.s32 @!p0 $0xFFFFF086;
	s6 =	sadd.s32 @!p0 s3, s7;
	s7 =	simm.s32 @!p0 $0x108  }
0x21: {  	s3 =	sadd.s32 s3, s9;
	s6 =	sadd.s32 @!p0 $0x88, s6;
	s7 =	simm.s32 @p2 $0x1082  }
0x22: {  	[simem:s7], [sflag:s8] =	dma.local @!p0 [hbm:s6], $0xF7A  }
0x23: {  	s9 =	sor.u32 $0xD0000000, s2;
	s6 =	simm.s32 $0x108;
	_ =	swait.ge @!p0 [sflag:s8], $0x0  }
0x24: {  	s3 =	sadd.s32 $0x88, s3;
	s6 =	simm.s32 @!p1 $0x1082;
	[sflag:s4] =	ssyncset.s32 $0xFFFFF086  }
0x25: {  	[simem:s6], [sflag:s4] =	dma.local [hbm:s3], $0xF7A  }
0x26: {  	[smem:$0x3F9F] =	sst s1;
	(tag) =	ssettag s2;
	_ =	strace s9  }
0x27: {  	s1 =	sld [smem:$0x3FAF]  }
0x28: {  	s2 =	sld [smem:$0x3FB0]  }
0x29: {  	s4 =	sld [smem:$0x3FB2]  }
0x2a: {  	p0 =	seq.s32 s5, $0x0;
	s5 =	sld [smem:$0x3FB3]  }
0x2b: {  	s6 =	sld [smem:$0x3FB4]  }
0x2c: {  	s7 =	sld [smem:$0x3FB5]  }
0x2d: {  	s3 =	simm.s32 $0x108;
	s8 =	sld [smem:$0x3FB6]  }
0x2e: {  	s3 =	simm.s32 @!p0 $0x1082;
	s9 =	sld [smem:$0x3FB7]  }
0x2f: {  	lr =	sadd.s32 s0, s3;
	s0 =	sld [smem:$0x3FAE]  }
0x30: {  	s3 =	sld [smem:$0x3FB1]  }
0x31: {  	[smem:$0x3FBA] =	sst s10  }
0x32: {  	s10 =	sld [smem:$0x3FB8];
	_ =	sdelay $0x3  }
0x33: {  	p0 =	seq.s32 s10, $0x1;
	s10 =	sld [smem:$0x3FBA];
	_ =	sdelay $0x3  }
0x34: {  	[smem:$0x3FBA] =	sst s10  }
0x35: {  	s10 =	sld [smem:$0x3FB9];
	_ =	sdelay $0x3  }
0x36: {  	p1 =	seq.s32 s10, $0x1;
	s10 =	sld [smem:$0x3FBA];
	_ =	sdelay $0x3  }
0x37: {  	[smem:$0x3FBA] =	sst s10  }
0x38: {  	s10 =	sld [smem:$0x3FBB]  }
0x39: {  	_ = 	snop;
	(pc) =	sbr.ind lr, $3  }
0x3a: {  	_ = 	snop  }
0x3b: {  	_ = 	snop  }
0x3c: {  	p2 =	seq.s32 s10, $0x1;
	s10 =	sld [smem:$0x3FBA]  }
0x3d: {  	_ =	shalt  }
0x3e: {  	_ =	shalt  }
0x3f: {  	_ =	shalt  }
0x40: {  	_ =	shalt  }
0x41: {  	_ =	shalt  }
0x42: {  	_ =	shalt  }
0x43: {  	_ =	shalt  }
0x44: {  	_ =	shalt  }
0x45: {  	_ =	shalt  }
0x46: {  	_ =	shalt  }
0x47: {  	_ =	shalt  }
0x48: {  	_ =	shalt  }
0x49: {  	_ =	shalt  }
0x4a: {  	_ =	shalt  }
0x4b: {  	_ =	shalt  }
0x4c: {  	_ =	shalt  }
0x4d: {  	_ =	shalt  }
0x4e: {  	_ =	shalt  }
0x4f: {  	_ =	shalt  }
0x50: {  	_ =	shalt  }
0x51: {  	_ =	shalt  }
0x52: {  	_ =	shalt  }
0x53: {  	_ =	shalt  }
0x54: {  	_ =	shalt  }
0x55: {  	_ =	shalt  }
0x56: {  	_ =	shalt  }
0x57: {  	_ =	shalt  }
0x58: {  	_ =	shalt  }
0x59: {  	_ =	shalt  }
0x5a: {  	_ =	shalt  }
0x5b: {  	_ =	shalt  }
0x5c: {  	_ =	shalt  }
0x5d: {  	_ =	shalt  }
0x5e: {  	_ =	shalt  }
0x5f: {  	_ =	shalt  }
0x60: {  	_ =	shalt  }
0x61: {  	_ =	shalt  }
0x62: {  	_ =	shalt  }
0x63: {  	_ =	shalt  }
0x64: {  	_ =	shalt  }
0x65: {  	_ =	shalt  }
0x66: {  	_ =	shalt  }
0x67: {  	_ =	shalt  }
0x68: {  	_ =	shalt  }
0x69: {  	_ =	shalt  }
0x6a: {  	_ =	shalt  }
0x6b: {  	_ =	shalt  }
0x6c: {  	_ =	shalt  }
0x6d: {  	_ =	shalt  }
0x6e: {  	_ =	shalt  }
0x6f: {  	_ =	shalt  }
0x70: {  	_ =	shalt  }
0x71: {  	_ =	shalt  }
0x72: {  	_ =	shalt  }
0x73: {  	_ =	shalt  }
0x74: {  	_ =	shalt  }
0x75: {  	_ =	shalt  }
0x76: {  	_ =	shalt  }
0x77: {  	_ =	shalt  }
0x78: {  	_ =	shalt  }
0x79: {  	_ =	shalt  }
0x7a: {  	_ =	shalt  }
0x7b: {  	_ =	shalt  }
0x7c: {  	_ =	shalt  }
0x7d: {  	_ =	shalt  }
0x7e: {  	_ =	shalt  }
0x7f: {  	_ =	shalt  }
0x80: {  	_ =	shalt  }
0x81: {  	_ =	shalt  }
0x82: {  	_ =	shalt  }
0x83: {  	_ =	shalt  }
0x84: {  	_ =	shalt  }
0x85: {  	_ =	shalt  }
0x86: {  	_ =	shalt  }
0x87: {  	_ =	shalt  }
.Lfunc_end0:
.L_simem_size_0:
called_computation_lowered:
.L_overlay_start_0:
0x88: {  	s0 =	sld [smem:$0x3FD9]  }
0x89: {  	s1 =	sld [smem:$0x3FFE];
	_ =	sdelay $0x3  }
0x8a: {  	s0 =	sadd.s32 s1, s0  }
0x8b: {  	[smem:$0x3FC6] =	sst s0  }
0x8c: {  	_ = 	snop  }
0x8d: {  	s0 =	sld [smem:$0x3FC8]  }
0x8e: {  	s16 =	sld [smem:$0x3FD0];
	(tm) =	ssettm $0x1  }
0x8f: {  	s2 =	sld [smem:$0x3FFB];
	_ =	sdelay $0x3  }
0x90: {  	_ =	strace s2  }
0x91: {  	s2 =	sld [smem:$0x3FFC];
	_ =	sdelay $0x3  }
0x92: {  	_ =	strace s2  }
0x93: {  	s2 =	sld [smem:$0x3FFD];
	_ =	sdelay $0x3  }
0x94: {  	_ =	strace s2  }
0x95: {  	_ =	strace $0x8FFFFFFF  }
0x96: {  	s17 =	sld [smem:$0x3FDB];
	_ =	sdelay $0x1  }
0x97: {  	s3 =	simm.s32 $_scs_section_size  }
0x98: {  	s4 =	simm.s32 $_size__tile_overlayer_lowered;
	s5 =	simm.s32 $_tile_overlayer_lowered  }
0x99: {  	s20 =	simm.s32 $0x1BFF;
	s19 =	sshll.u32 s5, $0x1;
	s2 =	sadd.s32 s3, s17  }
0x9a: {  	s6 =	simm.s32 $0x0;
	s18 =	sshll.u32 s4, $0x1;
	s4 =	sadd.s32 s19, s2  }
0x9b: {  	[timem:s6], [sflag:s20] =	dma.local [hbm:s4], s18  }
0x9c: {  	_ =	swait.ge [sflag:s20], s18  }
0x9d: {  	s3 =	ssub.s32 $0x0, s18;
	[sflag:s20] =	ssyncset.done $0x0  }
0x9e: {  	[sflag:s20] =	ssyncadd.s32 s3;
	_ =	sdelay $0x1  }
0x9f: {  	s21 =	simm.s32 $0x1B8B  }
0xa0: {  	_ =	swait.ge [sflag:s21], $0x1  }
0xa1: {  	[sflag:s21] =	ssyncset.done $0x0  }
0xa2: {  	s23 =	simm.s32 $0x1B8E;
	s22 =	sld [smem:$0x3FFE];
	[sflag:s21] =	ssyncadd.s32 $0xFFFFFFFF  }
0xa3: {  	s24 =	simm.s32 $execute0_lowered;
	[smem:$0x3FD2] =	sst s23  }
0xa4: {  	s4 =	sshll.u32 s24, $0x1;
	_ =	strace $0x80000046;
	[dreg:$0x1] =	wrdreg $0xFFFFFFFF  }
0xa5: {  	s25 =	simm.s32 $_size_execute0_lowered;
	s2 =	sadd.s32 s2, s4;
	[dreg:$0x0] =	wrdreg $0x0  }
0xa6: {  	s4 =	sshll.u32 s25, $0x1;
	[dreg:$0x2] =	wrdreg s2  }
0xa7: {  	[dreg:$0x3] =	wrdreg s4  }
0xa8: {  	[dreg:$0x4] =	wrdreg $0xC0  }
0xa9: {  	_ =	task [dreg:s6], $0x5FFFF  }
0xaa: {  	[dreg:$0x1] =	wrdreg $0xFFFFFFFF  }
0xab: {  	[dreg:$0x0] =	wrdreg $0x60  }
0xac: {  	[dreg:$0x2] =	wrdreg s22  }
0xad: {  	[dreg:$0x3] =	wrdreg s0  }
0xae: {  	[dreg:$0x4] =	wrdreg s16  }
0xaf: {  	[dreg:$0x5] =	wrdreg $0x6A800  }
0xb0: {  	[dreg:$0x6] =	wrdreg $0x9  }
0xb1: {  	_ =	task.clear_ibuf [dreg:s6], $0x7FFFF;
	_ =	strace $0x90000046  }
0xb2: {  	s26 =	simm.s32 $0x9;
	_ =	strace $0x80000048  }
0xb3: {  	_ =	swait.ge [sflag:s26], $0x1  }
0xb4: {  	[sflag:s26] =	ssyncadd.s32 $0xFFFFFFFF  }
0xb5: {  	_ =	strace $0x90000048  }
0xb6: {  	_ =	sfence  }
0xb7: {  	s28 =	sld [smem:$0x0];
	_ =	sdelay $0x1  }
0xb8: {  	s29 =	srdreg.scid  }
0xb9: {  	s30 =	sshll.u32 s29, $0xD;
	s31 =	sshrl.u32 s29, $0x2  }
0xba: {  	s1 =	sand.u32 $0x1, s29;
	s2 =	sand.u32 $0x4000, s30;
	s0 =	sadd.s32 s31, s28  }
0xbb: {  	s1 =	sor.u32 s2, s1;
	s0 =	sshll.u32 s0, $0x11  }
0xbc: {  	s0 =	sor.u32 s0, s1  }
0xbd: {  	s0 =	sadd.s32 $0x8F2B, s0  }
0xbe: {  	[sflag:s0] =	ssyncadd.remote.s32 $0x1  }
0xbf: {  	_ =	sfence.sel $0xFFFF  }
0xc0: {  	[dreg:$0x0] =	wrdreg $0xFFFFFFFF;
	(pc) =	sbr.abs _section_cstart, $3  }
0xc1: {  	[dreg:$0x1] =	wrdreg $0xFFFFFFFF  }
0xc2: {  	_ =	task.clear_ibuf [dreg:s6], $0x2FFFF;
	_ =	strace $0x9FFFFFFF  }
0xc3: {  	(tm) =	ssettm $0x7FFFFFFF  }
tec
execute0_lowered:
.L_overlay_start_1:
0x0: {  	(tag) =	ssettag $0x1  }
0x1: {  	s4 =	rddreg [dreg:$0x0]  }
0x2: {  	s5 =	rddreg [dreg:$0x1]  }
0x3: {  	s1 =	rddreg [dreg:$0x2]  }
0x4: {  	s2 =	rddreg [dreg:$0x3]  }
0x5: {  	s0 =	rddreg [dreg:$0x4];
	s6 =	simm.s32 $0x0;
	s3 =	stileid.u32  }
0x6: {  	[smem:$0x7FF] =	sst s6;
	s4 =	sadd.s32 $0x400, s4;
	p0 =	seq.s32 s3, $0xF  }
0x7: {  	_ =	strace $0x80000047;
	s6 =	sadd.s32 @p0 $0x2DD2, s4;
	s7 =	simm.s32 @p0 $0x0  }
0x8: {  	[tilespmem:s7], [sflag:$0x1] =	stream.linear.gather @p0 [hbm4b:s6+s7], $0x1810, $0x38;
	[tilespmem:$0x6B00] =	vst v63  }
0x9: {  	s8 =	simm.s32 @p0 $0x1870;
	s6 =	sadd.s32 @p0 $0x5EA6, s4  }
0xa: {  	[tilespmem:s8], [sflag:$0x1] =	stream.linear.gather @p0 [hbm4b:s6+s7], $0x1810, $0x38;
	[tilespmem:$0x6B00] =	vst v63  }
0xb: {  	s6 =	sadd.s32 @p0 $0x8F7A, s4;
	s8 =	simm.s32 @p0 $0x30E0  }
0xc: {  	[tilespmem:s8], [sflag:$0x1] =	stream.linear.gather @p0 [hbm4b:s6+s7], $0x1810, $0x38;
	[tilespmem:$0x6B00] =	vst v63  }
0xd: {  	s9 =	smul.u32 @!p0 $0x1870, s3;
	s6 =	sadd.s32 @p0 $0x2DD2, s5;
	s8 =	simm.s32 @p0 $0x4980  }
0xe: {  	[tilespmem:s8], [sflag:$0x2] =	stream.linear.gather @p0 [hbm4b:s6+s7], $0x1810, $0x38;
	[tilespmem:$0x6B00] =	vst v63  }
0xf: {  	s6 =	sshrl.u32 @!p0 s9, $0x3  }
0x10: {  	s7 =	simm.s32 @!p0 $0x0;
	s4 =	sadd.s32 @!p0 s4, s6  }
0x11: {  	[tilespmem:s7], [sflag:$0x1] =	stream.linear.gather @!p0 [hbm4b:s4+s7], $0x1870, $0x38;
	[tilespmem:$0x6B00] =	vst v63  }
0x12: {  	s9 =	simm.s32 @!p0 $0x1870;
	s8 =	sadd.s32 @!p0 $0x30D4, s4  }
0x13: {  	[tilespmem:s9], [sflag:$0x1] =	stream.linear.gather @!p0 [hbm4b:s8+s7], $0x1870, $0x38;
	[tilespmem:$0x6B00] =	vst v63  }
0x14: {  	s4 =	sadd.s32 @!p0 $0x61A8, s4;
	s8 =	simm.s32 @!p0 $0x30E0  }
0x15: {  	[tilespmem:s8], [sflag:$0x1] =	stream.linear.gather @!p0 [hbm4b:s4+s7], $0x1870, $0x38;
	[tilespmem:$0x6B00] =	vst v63  }
0x16: {  	s4 =	sadd.s32 @!p0 s5, s6;
	s5 =	simm.s32 @!p0 $0x4980  }
0x17: {  	v0 =	vimm.f32 $0.0e+00;
	[tilespmem:s5], [sflag:$0x2] =	stream.linear.gather @!p0 [hbm4b:s4+s7], $0x1870, $0x38;
	[tilespmem:$0x6B00] =	vst v63  }
0x18: {  	[tilespmem:$0x6200] =	vst v0  }
0x19: {  	[tilespmem:$0x6210] =	vst v0  }
0x1a: {  	[tilespmem:$0x6220] =	vst v0  }
0x1b: {  	[tilespmem:$0x6230] =	vst v0  }
0x1c: {  	[tilespmem:$0x6240] =	vst v0  }
0x1d: {  	[tilespmem:$0x6250] =	vst v0  }
0x1e: {  	[tilespmem:$0x6260] =	vst v0  }
0x1f: {  	s4 =	simm.s32 @p0 $0x1;
	[tilespmem:$0x6270] =	vst v0  }
0x20: {  	_ =	swait.ge @p0 [sflag:s4], $0x1810  }
0x21: {  	[sflag:s4] =	ssyncset.done @p0 $0x0  }
0x22: {  	[sflag:s4] =	ssyncadd.s32 @p0 $0xFFFFE7F0  }
0x23: {  	_ =	swait.ge @p0 [sflag:s4], $0x1810  }
0x24: {  	[sflag:s4] =	ssyncset.done @p0 $0x0  }
0x25: {  	[sflag:s4] =	ssyncadd.s32 @p0 $0xFFFFE7F0  }
0x26: {  	_ =	swait.ge @p0 [sflag:s4], $0x1810  }
0x27: {  	[sflag:s4] =	ssyncset.done @p0 $0x0  }
0x28: {  	[sflag:s4] =	ssyncadd.s32 @p0 $0xFFFFE7F0;
	s4 =	simm.s32 @p0 $0x2  }
0x29: {  	_ =	swait.ge @p0 [sflag:s4], $0x1810  }
0x2a: {  	[sflag:s4] =	ssyncset.done @p0 $0x0  }
0x2b: {  	[sflag:s4] =	ssyncadd.s32 @p0 $0xFFFFE7F0;
	s4 =	simm.s32 @!p0 $0x1  }
0x2c: {  	_ =	swait.ge @!p0 [sflag:s4], $0x1870  }
0x2d: {  	[sflag:s4] =	ssyncset.done @!p0 $0x0  }
0x2e: {  	[sflag:s4] =	ssyncadd.s32 @!p0 $0xFFFFE790  }
0x2f: {  	_ =	swait.ge @!p0 [sflag:s4], $0x1870  }
0x30: {  	[sflag:s4] =	ssyncset.done @!p0 $0x0  }
0x31: {  	[sflag:s4] =	ssyncadd.s32 @!p0 $0xFFFFE790  }
0x32: {  	_ =	swait.ge @!p0 [sflag:s4], $0x1870  }
0x33: {  	[sflag:s4] =	ssyncset.done @!p0 $0x0  }
0x34: {  	[sflag:s4] =	ssyncadd.s32 @!p0 $0xFFFFE790;
	s4 =	simm.s32 @!p0 $0x2  }
0x35: {  	_ =	swait.ge @!p0 [sflag:s4], $0x1870  }
0x36: {  	[sflag:s4] =	ssyncset.done @!p0 $0x0  }
0x37: {  	s30 =	simm.s32 $0x49C0;
	[sflag:s4] =	ssyncadd.s32 @!p0 $0xFFFFE790  }
0x38: {  	s4 =	simm.s32 $0x18B0;
	v0 =	vld [tilespmem:s30+$0x30]  }
0x39: {  	v1 =	vld [tilespmem:s4+$0x20]  }
0x3a: {  	v2 =	vld [tilespmem:s4+$0x1890]  }
0x3b: {  	v4 =	vld [tilespmem:s4+$0xFFFFE7C0]  }
0x3c: {  	v5 =	vld [tilespmem:s4+$0x30]  }
0x3d: {  	v3 =	vld [tilespmem:s4+$0x1880]  }
0x3e: {  	v7 =	vld [tilespmem:s4+$0x18A0]  }
0x3f: {  	v6 =	vld [tilespmem:s4+$0x1870]  }
0x40: {  	v8 =	vld [tilespmem:s4+$0x1860]  }
0x41: {  	v9 =	vld [tilespmem:s4+$0x1850];
	v4 =	vmul.f32 v4, v4;
	v5 =	vmul.f32 v5, v5  }
0x42: {  	v10 =	vld [tilespmem:s30+$0x20]  }
0x43: {  	v11 =	vld [tilespmem:s30+$0x21];
	v7 =	vmul.f32 v7, v7;
	v4 =	vadd.f32 v5, v4  }
0x44: {  	v12 =	vld [tilespmem:s4+$0x1840]  }
0x45: {  	v5 =	vld [tilespmem:s4+$0xFFFFE7B0];
	v4 =	vadd.f32 v7, v4  }
0x46: {  	v13 =	vld [tilespmem:s30+$0x31]  }
0x47: {  	v14 =	vld [tilespmem:s4+$0xFFFFE7A0];
	(xrf2) =	vadd.scan.msk.f32 $0xffff, v4  }
0x48: {  	v15 =	vld [tilespmem:s4+$0xFFFFE790]  }
0x49: {  	v4 =	vld [tilespmem:s4+$0x0]  }
0x4a: {  	v16 =	vld [tilespmem:s4+$0xFFFFFFF0];
	v1 =	vmul.f32 v1, v1;
	v5 =	vmul.f32 v5, v5  }
0x4b: {  	vm0 =	vcmask $0x3F3C;
	v17 =	vld [tilespmem:s4+$0xFFFFE780];
	vm2 =	vne.s32 v0, v13  }
0x4c: {  	v2 =	vmul.f32 v2, v2;
	vm1 =	vmor vm2, vm0;
	v7 =	vld [tilespmem:s4+$0x10];
	v1 =	vadd.f32 v1, v5  }
0x4d: {  	v18 =	vld [tilespmem:s4+$0xFFFFFFE0]  }
0x4e: {  	v15 =	vmul.f32 v15, v15;
	v5 =	vld [tilespmem:s4+$0xFFFFFFD0];
	v1 =	vadd.f32 v2, v1;
	v4 =	vmul.f32 v4, v4  }
0x4f: {  	v2 =	vld [tilespmem:s4+$0xFFFFE760]  }
0x50: {  	v19 =	vld [tilespmem:s4+$0xFFFFFFC0];
	v6 =	vmul.f32 v6, v6;
	(xrf2) =	vadd.scan.msk.f32 $0xffff, v1;
	v4 =	vadd.f32 v4, v15  }
0x51: {  	s5 =	simm.s32 $0x6200;
	v52 =	vld [tilespmem:s4+$0xFFFFE750];
	v7 =	vmul.f32 v7, v7;
	v1 =	vmul.f32 v14, v14;
	v20, _, _ =	vpop (xrf2)  }
0x52: {  	[tilespmem:v0+s5+$0x0] =	vst.idx.add.f32.msk vm1, v20;
	v0 =	vadd.f32 v6, v4  }
0x53: {  	v53 =	vld [tilespmem:s4+$0x1830];
	v3 =	vmul.f32 v3, v3;
	v1 =	vadd.f32 v7, v1  }
0x54: {  	v2 =	vmul.f32 v2, v2;
	v4 =	vld [tilespmem:s30+$0x11];
	(xrf2) =	vadd.scan.msk.f32 $0xffff, v0;
	v0 =	vmul.f32 v5, v5  }
0x55: {  	vm3 =	vne.s32 v10, v11;
	v12 =	vmul.f32 v12, v12;
	v1 =	vadd.f32 v3, v1;
	v6 =	vld [tilespmem:s30+$0x10]  }
0x56: {  	vm4 =	vmor vm3, vm0;
	v7 =	vld [tilespmem:s30+$0x0];
	vm1 =	vmmov $0x7fff;
	v2 =	vadd.f32 v0, v2  }
0x57: {  	v3 =	vld [tilespmem:s30+$0x1];
	vm3 =	vmand vm3, vm1;
	(xrf2) =	vadd.scan.msk.f32 $0xffff, v1  }
0x58: {  	v58 =	vld [tilespmem:s4+$0xFFFFE770];
	v5 =	vmul.f32 v52, v52;
	v1 =	vmul.f32 v19, v19;
	v2 =	vadd.f32 v12, v2  }
0x59: {  	v54 =	vld [tilespmem:s30+$0xFFFFFFC0];
	v60 =	vmul.f32 v16, v16;
	v62 =	vmul.f32 v17, v17;
	vm2 =	vmand vm2, vm1  }
0x5a: {  	v55 =	vld [tilespmem:s30+$0xFFFFFFD0];
	v1 =	vadd.f32 v1, v5;
	v5 =	vmul.f32 v53, v53;
	vm5 =	vne.s32 v6, v4;
	v56, _, _ =	vpop (xrf2);
	(xrf2) =	vadd.scan.msk.f32 $0xffff, v2  }
0x5b: {  	v63 =	vmul.f32 v18, v18;
	v8 =	vmul.f32 v8, v8;
	v0 =	vld [tilespmem:s30+$0xFFFFFFD1];
	vm6 =	vmor vm5, vm0  }
0x5c: {  	[tilespmem:v10+s5+$0x0] =	vst.idx.add.f32.msk vm4, v56;
	v57 =	vsub.f32 $0.0e+00, v56;
	v5 =	vadd.f32 v5, v1;
	vm4 =	vne.s32 v7, v3  }
0x5d: {  	v12 =	vadd.f32 v60, v62;
	v1 =	vld [tilespmem:s30+$0xFFFFFFC1];
	v10 =	vmul.f32 v58, v58;
	vm7 =	vmor vm4, vm0  }
0x5e: {  	v2 =	vsub.f32 $0.0e+00, v20;
	vm4 =	vmand vm4, vm1;
	[tilespmem:v11+s5+$0x0] =	vst.idx.add.f32.msk vm3, v57;
	(xrf2) =	vadd.scan.msk.f32 $0xffff, v5  }
0x5f: {  	v9 =	vmul.f32 v9, v9;
	v8 =	vadd.f32 v8, v12;
	v5 =	vld [tilespmem:s30+$0xFFFFFFF0];
	v10 =	vadd.f32 v63, v10  }
0x60: {  	[tilespmem:v13+s5+$0x0] =	vst.idx.add.f32.msk vm2, v2;
	v59, _, _ =	vpop (xrf2)  }
0x61: {  	vm5 =	vmand vm5, vm1;
	v2 =	vld [tilespmem:s30+$0xFFFFFFF1];
	vm2 =	vne.s32 v55, v0;
	v9 =	vadd.f32 v9, v10;
	(xrf2) =	vadd.scan.msk.f32 $0xffff, v8;
	v61, _, _ =	vpop (xrf2)  }
0x62: {  	vm3 =	vne.s32 v54, v1;
	v11 =	vsub.f32 $0.0e+00, v59;
	[tilespmem:v6+s5+$0x0] =	vst.idx.add.f32.msk vm6, v61;
	vm6 =	vmor vm2, vm0  }
0x63: {  	[tilespmem:v7+s5+$0x0] =	vst.idx.add.f32.msk vm7, v59;
	vm7 =	vmor vm3, vm0  }
0x64: {  	[tilespmem:v3+s5+$0x0] =	vst.idx.add.f32.msk vm4, v11;
	v3, _, _ =	vpop (xrf2);
	(xrf2) =	vadd.scan.msk.f32 $0xffff, v9  }
0x65: {  	v6 =	vld [tilespmem:s30+$0xFFFFFFE1];
	v13 =	vsub.f32 $0.0e+00, v61  }
0x66: {  	v7 =	vld [tilespmem:s30+$0xFFFFFFE0]  }
0x67: {  	[tilespmem:v4+s5+$0x0] =	vst.idx.add.f32.msk vm5, v13  }
0x68: {  	s31 =	sshll.u32 s3, $0x7;
	s9 =	simm.s32 $0x4A40;
	s7 =	simm.s32 @!p0 $0x187;
	v4, _, _ =	vpop (xrf2);
	[tilespmem:v55+s5+$0x0] =	vst.idx.add.f32.msk vm6, v3  }
0x69: {  	s6 =	sadd.s32 s31, s2;
	s8 =	simm.s32 $0x0;
	s7 =	simm.s32 @p0 $0x181;
	vm2 =	vmand vm2, vm1;
	vm4 =	vne.s32 v5, v2;
	[tilespmem:v54+s5+$0x0] =	vst.idx.add.f32.msk vm7, v4  }
.LBB2_1:
0x6a: {  	v8 =	vld [tilespmem:s9+$0x30];
	s8 =	sadd.s32 $0x8, s8;
	s4 =	sadd.s32 $0x80, s4  }
0x6b: {  	v9 =	vld [tilespmem:s4+$0x20];
	p0 =	slt.u32 s8, $0x178;
	v10, _, _ =	vpop (xrf2)  }
0x6c: {  	vm3 =	vmand vm3, vm1;
	v12 =	vsub.f32 $0.0e+00, v3;
	v11 =	vld [tilespmem:s4+$0x1890]  }
0x6d: {  	v13 =	vld [tilespmem:s4+$0x1880]  }
0x6e: {  	v15 =	vsub.f32 $0.0e+00, v4;
	v14 =	vld [tilespmem:s4+$0x1870];
	v16, _, _ =	vpop (xrf2)  }
0x6f: {  	v17 =	vld [tilespmem:s4+$0x1860];
	v18 =	vsub.f32 $0.0e+00, v16  }
0x70: {  	v20 =	vsub.f32 $0.0e+00, v10;
	v19 =	vld [tilespmem:s4+$0x1850]  }
0x71: {  	vm5 =	vne.s32 v7, v6;
	v4 =	vld [tilespmem:s9+$0x20]  }
0x72: {  	vm6 =	vmor vm5, vm0;
	v3 =	vld [tilespmem:s9+$0x21]  }
0x73: {  	vm7 =	vmor vm4, vm0;
	v21 =	vld [tilespmem:s4+$0x1840]  }
0x74: {  	v22 =	vld [tilespmem:s4+$0xFFFFE7C0]  }
0x75: {  	vm5 =	vmand vm5, vm1;
	v23 =	vld [tilespmem:s4+$0x30]  }
0x76: {  	vm8 =	vmand vm4, vm1;
	v24 =	vld [tilespmem:s4+$0x18A0]  }
0x77: {  	v25 =	vld [tilespmem:s9+$0x31]  }
0x78: {  	[tilespmem:v7+s5+$0x0] =	vst.idx.add.f32.msk vm6, v16  }
0x79: {  	v7 =	vmul.f32 v22, v22;
	[tilespmem:v5+s5+$0x0] =	vst.idx.add.f32.msk vm7, v10  }
0x7a: {  	v5 =	vmul.f32 v23, v23;
	[tilespmem:v0+s5+$0x0] =	vst.idx.add.f32.msk vm2, v12  }
0x7b: {  	v0 =	vmul.f32 v24, v24;
	[tilespmem:v6+s5+$0x0] =	vst.idx.add.f32.msk vm5, v18  }
0x7c: {  	vm2 =	vne.s32 v4, v3;
	vm4 =	vne.s32 v8, v25;
	[tilespmem:v1+s5+$0x0] =	vst.idx.add.f32.msk vm3, v15  }
0x7d: {  	v1 =	vadd.f32 v5, v7;
	[tilespmem:v2+s5+$0x0] =	vst.idx.add.f32.msk vm8, v20  }
0x7e: {  	v2 =	vld [tilespmem:s4+$0xFFFFE7B0]  }
0x7f: {  	v0 =	vadd.f32 v0, v1;
	v5 =	vld [tilespmem:s4+$0x10]  }
0x80: {  	v1 =	vld [tilespmem:s4+$0xFFFFE7A0]  }
0x81: {  	v6 =	vld [tilespmem:s4+$0x0];
	(xrf2) =	vadd.scan.msk.f32 $0xffff, v0  }
0x82: {  	v0 =	vld [tilespmem:s4+$0xFFFFE790]  }
0x83: {  	v9 =	vmul.f32 v9, v9;
	v7 =	vld [tilespmem:s4+$0xFFFFFFF0];
	v2 =	vmul.f32 v2, v2  }
0x84: {  	v11 =	vmul.f32 v11, v11;
	v10 =	vld [tilespmem:s4+$0xFFFFE780]  }
0x85: {  	v5 =	vmul.f32 v5, v5;
	v12 =	vld [tilespmem:s4+$0xFFFFFFE0];
	v1 =	vmul.f32 v1, v1;
	v2 =	vadd.f32 v9, v2  }
0x86: {  	v13 =	vmul.f32 v13, v13;
	vm5 =	vmor vm4, vm0;
	v9 =	vld [tilespmem:s4+$0xFFFFE770];
	v6 =	vmul.f32 v6, v6  }
0x87: {  	v15 =	vld [tilespmem:s4+$0xFFFFFFD0];
	v0 =	vmul.f32 v0, v0;
	v1 =	vadd.f32 v5, v1;
	v2 =	vadd.f32 v11, v2  }
0x88: {  	vm3 =	vmand vm4, vm1;
	v11 =	vmul.f32 v14, v14;
	v5 =	vld [tilespmem:s4+$0xFFFFE760];
	v7 =	vmul.f32 v7, v7  }
0x89: {  	v14 =	vld [tilespmem:s4+$0xFFFFFFC0];
	v16 =	vmul.f32 v10, v10;
	v0 =	vadd.f32 v6, v0;
	v1 =	vadd.f32 v13, v1;
	(xrf2) =	vadd.scan.msk.f32 $0xffff, v2  }
0x8a: {  	v2 =	vld [tilespmem:s4+$0xFFFFE750];
	v6 =	vmul.f32 v12, v12;
	v12 =	vmul.f32 v17, v17  }
0x8b: {  	v13 =	vld [tilespmem:s4+$0x1830];
	v9 =	vmul.f32 v9, v9;
	v7 =	vadd.f32 v7, v16;
	v0 =	vadd.f32 v11, v0;
	v10, _, _ =	vpop (xrf2)  }
0x8c: {  	v11 =	vmul.f32 v15, v15;
	v15 =	vmul.f32 v19, v19;
	[tilespmem:v8+s5+$0x0] =	vst.idx.add.f32.msk vm5, v10  }
0x8d: {  	v5 =	vmul.f32 v5, v5;
	v6 =	vadd.f32 v6, v9;
	v7 =	vadd.f32 v12, v7;
	v8 =	vld [tilespmem:s9+$0x11];
	(xrf2) =	vadd.scan.msk.f32 $0xffff, v0  }
0x8e: {  	vm4 =	vmor vm2, vm0;
	v9 =	vmul.f32 v21, v21;
	v0 =	vmul.f32 v14, v14;
	v12 =	vld [tilespmem:s9+$0x1]  }
0x8f: {  	v2 =	vmul.f32 v2, v2;
	v5 =	vadd.f32 v11, v5;
	v11 =	vadd.f32 v15, v6;
	v14 =	vld [tilespmem:s9+$0x10]  }
0x90: {  	vm2 =	vmand vm2, vm1;
	v15 =	vld [tilespmem:s9+$0x0];
	(xrf2) =	vadd.scan.msk.f32 $0xffff, v1  }
0x91: {  	v16 =	vld [tilespmem:s9+$0xFFFFFFC0];
	v6 =	vadd.f32 v0, v2;
	v2 =	vmul.f32 v13, v13;
	v5 =	vadd.f32 v9, v5  }
0x92: {  	v0 =	vld [tilespmem:s9+$0xFFFFFFD1]  }
0x93: {  	v2 =	vadd.f32 v2, v6;
	v9 =	vld [tilespmem:s9+$0xFFFFFFD0];
	(xrf2) =	vadd.scan.msk.f32 $0xffff, v5;
	v1, _, _ =	vpop (xrf2)  }
0x94: {  	vm5 =	vne.s32 v14, v8;
	[tilespmem:v4+s5+$0x0] =	vst.idx.add.f32.msk vm4, v1;
	v4 =	vsub.f32 $0.0e+00, v1  }
0x95: {  	v5 =	vsub.f32 $0.0e+00, v10;
	v1 =	vld [tilespmem:s9+$0xFFFFFFC1];
	vm4 =	vne.s32 v15, v12;
	vm6 =	vmor vm5, vm0  }
0x96: {  	vm7 =	vmor vm4, vm0;
	[tilespmem:v3+s5+$0x0] =	vst.idx.add.f32.msk vm2, v4;
	(xrf2) =	vadd.scan.msk.f32 $0xffff, v2  }
0x97: {  	[tilespmem:v25+s5+$0x0] =	vst.idx.add.f32.msk vm3, v5;
	v3, _, _ =	vpop (xrf2)  }
0x98: {  	vm9 =	vmand vm4, vm1;
	vm8 =	vne.s32 v9, v0;
	v2 =	vld [tilespmem:s9+$0xFFFFFFF1]  }
0x99: {  	vm5 =	vmand vm5, vm1;
	vm2 =	vmand vm8, vm1;
	v5 =	vld [tilespmem:s9+$0xFFFFFFF0];
	(xrf2) =	vadd.scan.msk.f32 $0xffff, v7  }
0x9a: {  	vm8 =	vmor vm8, vm0;
	vm3 =	vne.s32 v16, v1;
	v6 =	vld [tilespmem:s9+$0xFFFFFFE1];
	v4, _, _ =	vpop (xrf2)  }
0x9b: {  	vm10 =	vmor vm3, vm0;
	[tilespmem:v14+s5+$0x0] =	vst.idx.add.f32.msk vm6, v4  }
0x9c: {  	v10 =	vsub.f32 $0.0e+00, v3;
	[tilespmem:v15+s5+$0x0] =	vst.idx.add.f32.msk vm7, v3;
	(xrf2) =	vadd.scan.msk.f32 $0xffff, v11  }
.Ltmp0:
0x9d: {  	v11 =	vsub.f32 $0.0e+00, v4;
	v7 =	vld [tilespmem:s9+$0xFFFFFFE0];
	v3, _, _ =	vpop (xrf2);
	(pc) =	sbr.rel @p0 .LBB2_1-.Ltmp0, $4  }
0x9e: {  	vm4 =	vne.s32 v5, v2;
	[tilespmem:v12+s5+$0x0] =	vst.idx.add.f32.msk vm9, v10  }
0x9f: {  	[tilespmem:v8+s5+$0x0] =	vst.idx.add.f32.msk vm5, v11  }
0xa0: {  	[tilespmem:v9+s5+$0x0] =	vst.idx.add.f32.msk vm8, v3;
	v4, _, _ =	vpop (xrf2)  }
0xa1: {  	s9 =	sadd.s32 $0x80, s9;
	[tilespmem:v16+s5+$0x0] =	vst.idx.add.f32.msk vm10, v4  }
0xa2: {  	vm7 =	vmor vm4, vm0  }
0xa3: {  	vm5 =	vne.s32 v7, v6;
	vm3 =	vmand vm3, vm1  }
0xa4: {  	vm6 =	vmor vm5, vm0  }
0xa5: {  	vm15 =	vmand vm4, vm1;
	v3 =	vsub.f32 $0.0e+00, v3  }
0xa6: {  	vm5 =	vmand vm5, vm1  }
0xa7: {  	v4 =	vsub.f32 $0.0e+00, v4;
	v8, _, _ =	vpop (xrf2);
	[tilespmem:v0+s5+$0x0] =	vst.idx.add.f32.msk vm2, v3  }
0xa8: {  	[tilespmem:v5+s5+$0x0] =	vst.idx.add.f32.msk vm7, v8  }
0xa9: {  	v63 =	vsub.f32 $0.0e+00, v8;
	v9, _, _ =	vpop (xrf2);
	[tilespmem:v1+s5+$0x0] =	vst.idx.add.f32.msk vm3, v4  }
0xaa: {  	v62 =	vsub.f32 $0.0e+00, v9;
	[tilespmem:v7+s5+$0x0] =	vst.idx.add.f32.msk vm6, v9  }
0xab: {  	s4 =	sadd.s32 $0xFFFFFE80, s7;
	[tilespmem:v2+s5+$0x0] =	vst.idx.add.f32.msk vm15, v63  }
0xac: {  	s7 =	simm.s32 $0x6181;
	s8 =	simm.s32 $0x6200;
	[tilespmem:v6+s5+$0x0] =	vst.idx.add.f32.msk vm5, v62;
	s5 =	simm.s32 $0x48E0  }
.LBB2_3:
0xad: {  	v0 =	vld [tilespmem:s5+$0xFFFFCF20]  }
0xae: {  	v1 =	vld [tilespmem:s5+$0xFFFFE790];
	_ =	sdelay $0x1  }
0xaf: {  	v2 =	vld [tilespmem:s5+$0x0];
	_ =	sdelay $0x2  }
0xb0: {  	v0 =	vmul.f32 v0, v0;
	v1 =	vmul.f32 v1, v1;
	_ =	sdelay $0x1  }
0xb1: {  	v61 =	vmul.f32 v2, v2;
	v0 =	vadd.f32 v1, v0;
	_ =	sdelay $0x1  }
0xb2: {  	v0 =	vadd.f32 v61, v0  }
0xb3: {  	v62 =	vld [tilespmem:s7+$0xFFFFFFFF]  }
0xb4: {  	v63 =	vld [tilespmem:s7+$0x0];
	(xrf2) =	vadd.scan.msk.f32 $0xffff, v0;
	_ =	sdelay $0x4  }
0xb5: {  	vm2 =	vne.s32 v62, v63  }
0xb6: {  	vm3 =	vmor vm2, vm0  }
0xb7: {  	vm2 =	vmand vm2, vm1  }
0xb8: {  	p0 =	sne.s32 s4, $0x1  }
.Ltmp1:
0xb9: {  	_ = 	snop;
	(pc) =	sbr.rel @p0 .LBB2_3-.Ltmp1, $4  }
0xba: {  	v0, _, _ =	vpop (xrf2)  }
0xbb: {  	v3 =	vsub.f32 $0.0e+00, v0  }
0xbc: {  	[tilespmem:v62+s8+$0x0] =	vst.idx.add.f32.msk vm3, v0  }
0xbd: {  	s5 =	sadd.s32 $0x10, s5;
	s7 =	sadd.s32 $0x10, s7;
	s4 =	sadd.s32 $0xFFFFFFFF, s4;
	[tilespmem:v63+s8+$0x0] =	vst.idx.add.f32.msk vm2, v3  }
0xbe: {  	s5 =	simm.s32 $0x6200;
	s4 =	simm.s32 $0x3  }
0xbf: {  	[spmem:s6] =	stream.linear.scatter [tilespmem:s5], [sflag:$0x3], $0x80, $0x38;
	[tilespmem:$0x6B00] =	vst v63  }
0xc0: {  	_ =	swait.ge [sflag:s4], $0x80  }
0xc1: {  	[sflag:s4] =	ssyncset.done $0x0  }
0xc2: {  	[sflag:s4] =	ssyncadd.s32 $0xFFFFFF80  }
0xc3: {  	p0 =	sne.s32 s3, $0x0;
	[bflag:$0x0] =	sbarrier.arrive $0xFFFF  }
0xc4: {  	_ =	sfence.sel @p0 $0x180000  }
0xc5: {  	[bflag:$0x0] =	sbarrier.arrive @p0 $0xFFFF  }
0xc6: {  	_ =	strace @p0 $0x90000047  }
0xc7: {  	[bflag:$0x2] =	sbarrier.arrive @p0 $0xFFFF  }
0xc8: {  	_ =	shalt @p0  }
.LBB2_5:
0xc9: {  	s3 =	simm.s32 $0x6280  }
0xca: {  	[tilespmem:s3], [sflag:$0x3] =	stream.linear.gather [spmem:s2], $0x800, $0x38;
	[tilespmem:$0x6B00] =	vst v63  }
0xcb: {  	_ =	swait.ge [sflag:s4], $0x800  }
0xcc: {  	[sflag:s4] =	ssyncset.done $0x0  }
0xcd: {  	[sflag:s4] =	ssyncadd.s32 $0xFFFFF800  }
0xce: {  	v0 =	vld [tilespmem:$0x6280]  }
0xcf: {  	v1 =	vld [tilespmem:$0x6300]  }
0xd0: {  	v2 =	vld [tilespmem:$0x6380]  }
0xd1: {  	v3 =	vld [tilespmem:$0x6400]  }
0xd2: {  	v9 =	vld [tilespmem:$0x6480]  }
0xd3: {  	v10 =	vld [tilespmem:$0x6500]  }
0xd4: {  	v11 =	vld [tilespmem:$0x6580]  }
0xd5: {  	v12 =	vld [tilespmem:$0x6600]  }
0xd6: {  	v14 =	vld [tilespmem:$0x6680]  }
0xd7: {  	v16 =	vld [tilespmem:$0x6700]  }
0xd8: {  	v18 =	vld [tilespmem:$0x6780]  }
0xd9: {  	v4 =	vld [tilespmem:$0x6800]  }
0xda: {  	v44 =	vld [tilespmem:$0x6880]  }
0xdb: {  	v45 =	vld [tilespmem:$0x6900]  }
0xdc: {  	v46 =	vld [tilespmem:$0x6980]  }
0xdd: {  	v47 =	vld [tilespmem:$0x6A00]  }
0xde: {  	v5 =	vld [tilespmem:$0x6290]  }
0xdf: {  	v7 =	vld [tilespmem:$0x6310]  }
0xe0: {  	v19 =	vld [tilespmem:$0x6390]  }
0xe1: {  	v20 =	vld [tilespmem:$0x6410]  }
0xe2: {  	v21 =	vld [tilespmem:$0x6490]  }
0xe3: {  	v22 =	vld [tilespmem:$0x6510]  }
0xe4: {  	v23 =	vld [tilespmem:$0x6590]  }
0xe5: {  	v24 =	vld [tilespmem:$0x6610]  }
0xe6: {  	v25 =	vld [tilespmem:$0x6690]  }
0xe7: {  	v26 =	vld [tilespmem:$0x6710]  }
0xe8: {  	v27 =	vld [tilespmem:$0x6790]  }
0xe9: {  	v28 =	vld [tilespmem:$0x6810]  }
0xea: {  	v29 =	vld [tilespmem:$0x6890]  }
0xeb: {  	v31 =	vld [tilespmem:$0x6910]  }
0xec: {  	v48 =	vld [tilespmem:$0x6990]  }
0xed: {  	v49 =	vld [tilespmem:$0x6A10]  }
0xee: {  	v8 =	vld [tilespmem:$0x62A0]  }
0xef: {  	v33 =	vld [tilespmem:$0x6320]  }
0xf0: {  	v34 =	vld [tilespmem:$0x63A0]  }
0xf1: {  	v35 =	vld [tilespmem:$0x6420]  }
0xf2: {  	v36 =	vld [tilespmem:$0x64A0]  }
0xf3: {  	v37 =	vld [tilespmem:$0x6520]  }
0xf4: {  	v38 =	vld [tilespmem:$0x65A0]  }
0xf5: {  	v39 =	vld [tilespmem:$0x6620]  }
0xf6: {  	v40 =	vld [tilespmem:$0x66A0]  }
0xf7: {  	v41 =	vld [tilespmem:$0x6720]  }
0xf8: {  	v42 =	vld [tilespmem:$0x67A0]  }
0xf9: {  	v43 =	vld [tilespmem:$0x6820]  }
0xfa: {  	v50 =	vld [tilespmem:$0x63B0]  }
0xfb: {  	v51 =	vld [tilespmem:$0x6430]  }
0xfc: {  	v52 =	vld [tilespmem:$0x64B0]  }
0xfd: {  	v53 =	vld [tilespmem:$0x6530]  }
0xfe: {  	v54 =	vld [tilespmem:$0x65B0]  }
0xff: {  	v55 =	vld [tilespmem:$0x6630]  }
0x100: {  	v56 =	vld [tilespmem:$0x66B0]  }
0x101: {  	v57 =	vld [tilespmem:$0x6730]  }
0x102: {  	v58 =	vld [tilespmem:$0x67B0]  }
0x103: {  	v59 =	vld [tilespmem:$0x6830]  }
0x104: {  	v60 =	vld [tilespmem:$0x68B0]  }
0x105: {  	v61 =	vld [tilespmem:$0x6930]  }
0x106: {  	v62 =	vld [tilespmem:$0x69B0]  }
0x107: {  	v63 =	vld [tilespmem:$0x6A30]  }
0x108: {  	v6 =	vld [tilespmem:$0x62C0]  }
0x109: {  	v13 =	vld [tilespmem:$0x63C0]  }
0x10a: {  	v15 =	vld [tilespmem:$0x6440]  }
0x10b: {  	v17 =	vld [tilespmem:$0x64C0]  }
0x10c: {  	v30 =	vld [tilespmem:$0x6540]  }
0x10d: {  	v32 =	vld [tilespmem:$0x65C0]  }
0x10e: {  	[tilespmem:$0x1FF90] =	vst v44;
	v44 =	vld [tilespmem:$0x68A0]  }
0x10f: {  	[tilespmem:$0x1FFA0] =	vst v45;
	v45 =	vld [tilespmem:$0x6920]  }
0x110: {  	[tilespmem:$0x1FFB0] =	vst v46;
	v46 =	vld [tilespmem:$0x69A0]  }
0x111: {  	[tilespmem:$0x1FFD0] =	vst v47;
	v47 =	vld [tilespmem:$0x6A20]  }
0x112: {  	[tilespmem:$0x1FFC0] =	vst v48;
	v48 =	vld [tilespmem:$0x62B0]  }
0x113: {  	[tilespmem:$0x1FFE0] =	vst v49;
	v49 =	vld [tilespmem:$0x6330]  }
0x114: {  	[tilespmem:$0x1FF80] =	vst v4;
	v4 =	vld [tilespmem:$0x6340]  }
0x115: {  	v0 =	vadd.f32 v1, v0;
	v1 =	vld [tilespmem:$0x6640]  }
0x116: {  	v5 =	vadd.f32 v7, v5;
	v7 =	vld [tilespmem:$0x66C0]  }
0x117: {  	[tilespmem:$0x1FFF0] =	vst v32;
	v32 =	vld [tilespmem:$0x6850]  }
0x118: {  	v0 =	vadd.f32 v2, v0;
	v2 =	vadd.f32 v33, v8;
	v8 =	vld [tilespmem:$0x6740]  }
0x119: {  	v33 =	vadd.f32 v19, v5;
	v19 =	vld [tilespmem:$0x67C0]  }
0x11a: {  	v5 =	vld [tilespmem:$0x6840]  }
0x11b: {  	v0 =	vadd.f32 v3, v0;
	v3 =	vld [tilespmem:$0x68C0]  }
0x11c: {  	v2 =	vadd.f32 v34, v2;
	v20 =	vadd.f32 v20, v33;
	v33 =	vld [tilespmem:$0x6350]  }
0x11d: {  	v48 =	vadd.f32 v49, v48;
	v49 =	vld [tilespmem:$0x1FFC0]  }
0x11e: {  	v34 =	vadd.f32 v35, v2;
	v2 =	vld [tilespmem:$0x6940]  }
0x11f: {  	v0 =	vadd.f32 v9, v0;
	v9 =	vld [tilespmem:$0x69C0]  }
0x120: {  	v35 =	vld [tilespmem:$0x6A50]  }
0x121: {  	v20 =	vadd.f32 v21, v20;
	v50 =	vadd.f32 v50, v48;
	v48 =	vld [tilespmem:$0x6360]  }
0x122: {  	v10 =	vadd.f32 v10, v0;
	v0 =	vld [tilespmem:$0x6A40]  }
0x123: {  	v4 =	vadd.f32 v4, v6;
	v20 =	vadd.f32 v22, v20;
	v22 =	vld [tilespmem:$0x62D0]  }
0x124: {  	v36 =	vadd.f32 v36, v34;
	v34 =	vld [tilespmem:$0x6950]  }
0x125: {  	v4 =	vadd.f32 v13, v4;
	v51 =	vadd.f32 v51, v50;
	v50 =	vld [tilespmem:$0x62F0]  }
0x126: {  	v20 =	vadd.f32 v23, v20;
	v23 =	vld [tilespmem:$0x63D0]  }
0x127: {  	v4 =	vadd.f32 v15, v4;
	v37 =	vadd.f32 v37, v36;
	v36 =	vld [tilespmem:$0x65F0]  }
0x128: {  	v10 =	vadd.f32 v11, v10;
	v21 =	vadd.f32 v52, v51;
	v51 =	vld [tilespmem:$0x1FFD0]  }
0x129: {  	v52 =	vld [tilespmem:$0x6370]  }
0x12a: {  	v4 =	vadd.f32 v17, v4;
	v10 =	vadd.f32 v12, v10;
	v12 =	vld [tilespmem:$0x6450]  }
0x12b: {  	v11 =	vadd.f32 v38, v37;
	v20 =	vadd.f32 v24, v20;
	v24 =	vld [tilespmem:$0x64D0]  }
0x12c: {  	v37 =	vld [tilespmem:$0x6660];
	v21 =	vadd.f32 v53, v21;
	v22 =	vadd.f32 v33, v22  }
0x12d: {  	v38 =	vld [tilespmem:$0x1FFF0];
	v4 =	vadd.f32 v30, v4;
	v10 =	vadd.f32 v14, v10  }
0x12e: {  	v53 =	vld [tilespmem:$0x1FFE0];
	v11 =	vadd.f32 v39, v11;
	v20 =	vadd.f32 v25, v20  }
0x12f: {  	v33 =	vld [tilespmem:$0x65E0];
	v21 =	vadd.f32 v54, v21;
	v22 =	vadd.f32 v23, v22  }
0x130: {  	v14 =	vld [tilespmem:$0x6550];
	v10 =	vadd.f32 v16, v10;
	v11 =	vadd.f32 v40, v11  }
0x131: {  	v25 =	vld [tilespmem:$0x65D0];
	v20 =	vadd.f32 v26, v20;
	v21 =	vadd.f32 v55, v21  }
0x132: {  	v39 =	vld [tilespmem:$0x6670];
	v12 =	vadd.f32 v12, v22;
	v4 =	vadd.f32 v38, v4  }
0x133: {  	v40 =	vld [tilespmem:$0x1FF80];
	v10 =	vadd.f32 v18, v10;
	v21 =	vadd.f32 v56, v21  }
0x134: {  	v54 =	vld [tilespmem:$0x63E0];
	v11 =	vadd.f32 v41, v11;
	v20 =	vadd.f32 v27, v20  }
0x135: {  	v16 =	vld [tilespmem:$0x6650];
	v12 =	vadd.f32 v24, v12;
	v21 =	vadd.f32 v57, v21  }
0x136: {  	v41 =	vld [tilespmem:$0x1FF90];
	v1 =	vadd.f32 v1, v4;
	v11 =	vadd.f32 v42, v11  }
0x137: {  	v26 =	vld [tilespmem:$0x66D0];
	v20 =	vadd.f32 v28, v20;
	v21 =	vadd.f32 v58, v21  }
0x138: {  	v10 =	vadd.f32 v40, v10;
	v11 =	vadd.f32 v43, v11;
	v43 =	vld [tilespmem:$0x62E0]  }
0x139: {  	v55 =	vld [tilespmem:$0x63F0];
	v12 =	vadd.f32 v14, v12;
	v21 =	vadd.f32 v59, v21  }
0x13a: {  	v18 =	vld [tilespmem:$0x6750];
	v1 =	vadd.f32 v7, v1;
	v20 =	vadd.f32 v29, v20  }
0x13b: {  	v56 =	vld [tilespmem:$0x6460];
	v10 =	vadd.f32 v41, v10;
	v21 =	vadd.f32 v60, v21  }
0x13c: {  	v42 =	vld [tilespmem:$0x1FFA0];
	v12 =	vadd.f32 v25, v12;
	v1 =	vadd.f32 v8, v1  }
0x13d: {  	v58 =	vld [tilespmem:$0x6470];
	v57 =	vadd.f32 v48, v43;
	v21 =	vadd.f32 v61, v21  }
0x13e: {  	v11 =	vadd.f32 v44, v11;
	v59 =	vadd.f32 v52, v50;
	v60 =	vld [tilespmem:$0x64E0]  }
0x13f: {  	v13 =	vadd.f32 v54, v57;
	v61 =	vld [tilespmem:$0x64F0];
	v21 =	vadd.f32 v62, v21  }
0x140: {  	v20 =	vadd.f32 v31, v20;
	v6 =	vadd.f32 v55, v59;
	v62 =	vld [tilespmem:$0x6560]  }
0x141: {  	v13 =	vadd.f32 v56, v13;
	v21 =	vadd.f32 v63, v21;
	v63 =	vld [tilespmem:$0x6570]  }
0x142: {  	v27 =	vld [tilespmem:$0x67D0];
	v10 =	vadd.f32 v42, v10;
	v6 =	vadd.f32 v58, v6  }
0x143: {  	v28 =	vld [tilespmem:$0x68D0];
	v12 =	vadd.f32 v16, v12;
	v13 =	vadd.f32 v60, v13  }
0x144: {  	v44 =	vld [tilespmem:$0x1FFB0];
	v1 =	vadd.f32 v19, v1;
	v6 =	vadd.f32 v61, v6  }
0x145: {  	v40 =	vld [tilespmem:$0x66E0];
	v11 =	vadd.f32 v45, v11;
	v13 =	vadd.f32 v62, v13  }
0x146: {  	v29 =	vld [tilespmem:$0x69D0];
	v20 =	vadd.f32 v49, v20;
	v6 =	vadd.f32 v63, v6  }
0x147: {  	v42 =	vld [tilespmem:$0x66F0];
	v12 =	vadd.f32 v26, v12;
	v41 =	vadd.f32 v33, v13  }
0x148: {  	v43 =	vld [tilespmem:$0x6760];
	v1 =	vadd.f32 v5, v1;
	v6 =	vadd.f32 v36, v6  }
0x149: {  	v10 =	vadd.f32 v44, v10;
	v44 =	vld [tilespmem:$0x6770];
	v4 =	vadd.f32 v37, v41  }
0x14a: {  	v45 =	vld [tilespmem:$0x67E0];
	v11 =	vadd.f32 v46, v11;
	v6 =	vadd.f32 v39, v6  }
0x14b: {  	v46 =	vld [tilespmem:$0x67F0];
	v12 =	vadd.f32 v18, v12;
	v4 =	vadd.f32 v40, v4  }
0x14c: {  	v11 =	vadd.f32 v47, v11;
	v47 =	vld [tilespmem:$0x6860];
	v6 =	vadd.f32 v42, v6  }
0x14d: {  	v48 =	vld [tilespmem:$0x6870];
	v20 =	vadd.f32 v53, v20;
	v4 =	vadd.f32 v43, v4  }
0x14e: {  	v49 =	vld [tilespmem:$0x68E0];
	v12 =	vadd.f32 v27, v12;
	v6 =	vadd.f32 v44, v6  }
0x14f: {  	v50 =	vld [tilespmem:$0x68F0];
	v10 =	vadd.f32 v51, v10;
	v4 =	vadd.f32 v45, v4  }
0x150: {  	v51 =	vld [tilespmem:$0x6960];
	v12 =	vadd.f32 v32, v12;
	v6 =	vadd.f32 v46, v6  }
0x151: {  	v53 =	vld [tilespmem:$0x6970];
	v1 =	vadd.f32 v3, v1;
	v52 =	vadd.f32 v47, v4  }
0x152: {  	v54 =	vld [tilespmem:$0x69E0];
	v12 =	vadd.f32 v28, v12;
	v6 =	vadd.f32 v48, v6  }
0x153: {  	v1 =	vadd.f32 v2, v1;
	v56 =	vld [tilespmem:$0x69F0];
	v55 =	vadd.f32 v49, v52  }
0x154: {  	v58 =	vld [tilespmem:$0x6A60];
	v57 =	vadd.f32 v34, v12;
	v5 =	vadd.f32 v50, v6  }
0x155: {  	v59 =	vld [tilespmem:$0x6A70];
	[tilespmem:$0x6210] =	vst v20;
	v1 =	vadd.f32 v9, v1;
	v2 =	vadd.f32 v51, v55  }
0x156: {  	[tilespmem:$0x6220] =	vst v11;
	v7 =	vadd.f32 v29, v57;
	v4 =	vadd.f32 v53, v5  }
0x157: {  	[tilespmem:$0x6200] =	vst v10;
	v0 =	vadd.f32 v0, v1;
	v60 =	vadd.f32 v54, v2  }
0x158: {  	[tilespmem:$0x6230] =	vst v21;
	v61 =	vadd.f32 v35, v7;
	v3 =	vadd.f32 v56, v4  }
0x159: {  	[tilespmem:$0x6240] =	vst v0;
	v62 =	vadd.f32 v58, v60  }
0x15a: {  	[tilespmem:$0x6250] =	vst v61;
	v63 =	vadd.f32 v59, v3  }
0x15b: {  	[tilespmem:$0x6260] =	vst v62  }
0x15c: {  	s31 =	simm.s32 $0x0;
	[tilespmem:$0x6270] =	vst v63  }
0x15d: {  	[hbm4b:s1+s31] =	stream.linear.scatter [tilespmem:s5], [sflag:$0x3], $0x80, $0x38;
	[tilespmem:$0x6B00] =	vst v63  }
0x15e: {  	_ =	swait.ge [sflag:s4], $0x80  }
0x15f: {  	[sflag:s4] =	ssyncset.done $0x0  }
0x160: {  	[sflag:s4] =	ssyncadd.s32 $0xFFFFFF80  }
0x161: {  	_ =	sfence.sel $0x180000  }
0x162: {  	[bflag:$0x0] =	sbarrier.arrive $0xFFFF  }
0x163: {  	_ =	strace $0x90000047  }
0x164: {  	s0 =	sadd.s32 $0x100000, s0;
	[bflag:$0x2] =	sbarrier.arrive $0xFFFF  }
0x165: {  	[sflag:s0] =	ssyncadd.tile.s32 $0x1;
	_ =	shalt  }
.Lfunc_end2:
_tile_overlayer_lowered:
.L_overlay_start_2:
0x166: {  	(tag) =	ssettag $0x2  }
0x167: {  	s0 =	rddreg [dreg:$0x0];
	s2 =	stileid.u32  }
0x168: {  	s1 =	rddreg [dreg:$0x1];
	p0 =	sne.s32 s2, $0x0  }
0x169: {  	s3 =	rddreg [dreg:$0x2];
	[bflag:$0x3] =	sbarrier.arrive $0xFFFF;
	s2 =	simm.s32 @!p0 $0x1C03  }
0x16a: {  	[timem:s3], [sflag:s2] =	dma.local @!p0 [hbm:s0], s1  }
0x16b: {  	s0 =	simm.s32 @!p0 $0x3  }
0x16c: {  	_ =	swait.ge @!p0 [sflag:s0], s1  }
0x16d: {  	s1 =	ssub.s32 @!p0 $0x0, s1;
	[sflag:s0] =	ssyncset.done @!p0 $0x0  }
0x16e: {  	[sflag:s0] =	ssyncadd.s32 @!p0 s1  }
0x16f: {  	[bflag:$0x3] =	sbarrier.arrive $0xFFFF  }
0x170: {  	_ =	shalt  }

</sc_bundles>
